<compile_context>
chip_gen: v7x
topology: tpu7x:2x2x1
jax: 0.10.2.dev20260603
libtpu: 0.0.44.dev20260713+nightly
codegen_flags: <defaults>
</compile_context>

<pallas_src>
import functools

import jax
import jax.numpy as jnp
from jax.experimental import pallas as pl
from jax.experimental.pallas import tpu as pltpu
from jax.experimental.pallas import tpu_sc as plsc

B = 1024
D = 256
N = 100000
K = 8
RES = 16
VD = RES * RES * RES
BK = B * K

CB = 2048
NB = (N + CB - 1) // CB
_CH = 128
GW = 8

_NEG_INF = float("-inf")
_INT_MAX = 0x7FFFFFFF


def _topk_kernel(x_ref, k_ref, vals_ref, idx_ref, ri_ref):
    j = pl.program_id(0)

    @pl.when(j == 0)
    def _init():
        vals_ref[...] = jnp.full((B, K), _NEG_INF, jnp.float32)
        ri_ref[...] = jnp.zeros((B, K), jnp.float32)

    kn = k_ref[...]
    row = jax.lax.broadcasted_iota(jnp.int32, (CB, D), 0) + j * CB
    kn = jnp.where(row < N, kn, 0.0)
    s = jax.lax.dot_general(
        x_ref[...], kn, (((1,), (1,)), ((), ())),
        preferred_element_type=jnp.float32)

    lane_f = jax.lax.broadcasted_iota(
        jnp.int32, (B, _CH), 1).astype(jnp.float32)
    m1 = m2 = m3 = jnp.full((B, _CH), _NEG_INF, jnp.float32)
    a1 = a2 = a3 = jnp.full((B, _CH), -1.0, jnp.float32)
    boff = (j * CB).astype(jnp.float32)
    for c in range(CB // _CH):
        v = s[:, c * _CH:(c + 1) * _CH]
        vc = lane_f + (boff + jnp.float32(c * _CH))
        g1 = v > m1
        g2 = v > m2
        g3 = v > m3
        nm1 = jnp.where(g1, v, m1)
        na1 = jnp.where(g1, vc, a1)
        nm2 = jnp.where(g1, m1, jnp.where(g2, v, m2))
        na2 = jnp.where(g1, a1, jnp.where(g2, vc, a2))
        nm3 = jnp.where(g1 | g2, m2, jnp.where(g3, v, m3))
        na3 = jnp.where(g1 | g2, a2, jnp.where(g3, vc, a3))
        m1, m2, m3, a1, a2, a3 = nm1, nm2, nm3, na1, na2, na3

    rv = vals_ref[...]
    ri = ri_ref[...]
    for _ in range(K):
        m = jnp.max(m1, axis=1, keepdims=True)
        am = jnp.min(jnp.where(m1 == m, a1, jnp.float32(3.0e38)),
                     axis=1, keepdims=True)
        won = a1 == am
        m1 = jnp.where(won, m2, m1)
        a1 = jnp.where(won, a2, a1)
        m2 = jnp.where(won, m3, m2)
        a2 = jnp.where(won, a3, a2)
        m3 = jnp.where(won, _NEG_INF, m3)
        keep = rv >= m
        sv = jnp.concatenate(
            [jnp.full((B, 1), jnp.inf, jnp.float32), rv[:, : K - 1]], axis=1)
        ks = sv >= m
        si = jnp.concatenate(
            [jnp.zeros((B, 1), jnp.float32), ri[:, : K - 1]], axis=1)
        mb = jnp.broadcast_to(m, (B, K))
        ab = jnp.broadcast_to(am, (B, K))
        rv = jnp.where(keep, rv, jnp.where(ks, mb, sv))
        ri = jnp.where(keep, ri, jnp.where(ks, ab, si))
    vals_ref[...] = rv
    ri_ref[...] = ri

    @pl.when(j == NB - 1)
    def _fin():
        idx_ref[...] = ri_ref[...].astype(jnp.int32)


def _topk_call(x, memory_keys):
    return pl.pallas_call(
        _topk_kernel,
        grid=(NB,),
        in_specs=[
            pl.BlockSpec((B, D), lambda j: (0, 0)),
            pl.BlockSpec((CB, D), lambda j: (j, 0)),
        ],
        out_specs=[
            pl.BlockSpec((B, K), lambda j: (0, 0)),
            pl.BlockSpec((B, K), lambda j: (0, 0)),
        ],
        out_shape=[
            jax.ShapeDtypeStruct((B, K), jnp.float32),
            jax.ShapeDtypeStruct((B, K), jnp.int32),
        ],
        scratch_shapes=[
            pltpu.VMEM((B, K), jnp.float32),
        ],
    )(x, memory_keys)


_UNITS = 32
_PER = BK // _UNITS


def _gather_call(values2d, idx_flat):
    mesh = plsc.VectorSubcoreMesh(core_axis_name="c", subcore_axis_name="s")

    @functools.partial(
        pl.kernel,
        out_type=jax.ShapeDtypeStruct((B, K, VD), jnp.float32),
        mesh=mesh,
        scratch_types=[
            pltpu.VMEM((_PER,), jnp.int32),
            pltpu.VMEM((GW, VD), jnp.float32),
        ],
    )
    def knl(x_hbm, i_hbm, o_hbm, idx_ref, stage_ref):
        c = jax.lax.axis_index("c")
        s = jax.lax.axis_index("s")
        base = (c * 16 + s) * _PER
        pltpu.sync_copy(i_hbm.at[pl.ds(base, _PER)], idx_ref)

        @pl.loop(0, _PER // GW)
        def _(w):
            win = idx_ref.at[pl.ds(w * GW, GW)]
            pltpu.sync_copy(x_hbm.at[win], stage_ref)
            pltpu.sync_copy(stage_ref, o_hbm.at[(base + w * GW) // K])

    return knl(values2d, idx_flat)


def kernel(x, memory_keys, memory_values):
    qn = x / jnp.maximum(
        jnp.linalg.norm(x, ord=2, axis=1, keepdims=True), 1e-12)
    knorm = memory_keys / jnp.maximum(
        jnp.linalg.norm(memory_keys, ord=2, axis=1, keepdims=True), 1e-12)
    vals, idx = _topk_call(qn, knorm)

    grp = (idx // CB) * _CH + (idx % _CH)
    gs = jnp.sort(grp, axis=1)
    bad = jnp.any(gs[:, 2:] == gs[:, : K - 2]) | jnp.any(idx >= N)

    def _exact_topk(_):
        qn = x / jnp.maximum(
            jnp.linalg.norm(x, ord=2, axis=1, keepdims=True), 1e-12)
        kn = memory_keys / jnp.maximum(
            jnp.linalg.norm(memory_keys, ord=2, axis=1, keepdims=True), 1e-12)
        tv, ti = jax.lax.top_k(jnp.matmul(qn, kn.T), K)
        return tv, ti

    vals, idx = jax.lax.cond(bad, _exact_topk, lambda _: (vals, idx), None)

    gathered = _gather_call(memory_values.reshape(N, VD), idx.reshape(BK))
    return gathered.reshape(B, K, RES, RES, RES), idx, vals

# --- scband reference (transcript-rebuilt; emitter-appended) ---
"""Pipeline reference for scband-memory-module-41841571397801 (READ-ONLY COPY).

The authoritative reference and input builder live on the scoring server;
editing this copy changes nothing except your own understanding.
"""

import jax, jax.numpy as jnp
import numpy as np

MEMORY_SIZE = 100000
FEATURE_DIM = 256
VOXEL_RES = 16
TOP_K = 8
BATCH = 1024


def _l2_normalize(a, axis):
    # matches torch F.normalize(p=2, eps=1e-12)
    n = jnp.linalg.norm(a, ord=2, axis=axis, keepdims=True)
    return a / jnp.maximum(n, 1e-12)


def setup_inputs(seed: int = 0) -> dict:
    key = jax.random.key(seed)
    k1, k2, k3 = jax.random.split(key, 3)
    x = jax.random.normal(k1, (BATCH, FEATURE_DIM), dtype=jnp.float32)
    memory_keys = jax.random.normal(k2, (MEMORY_SIZE, FEATURE_DIM), dtype=jnp.float32) * 0.01
    # original buffer is zeros; use random values so the gather is meaningful
    memory_values = jax.random.normal(k3, (MEMORY_SIZE, VOXEL_RES, VOXEL_RES, VOXEL_RES), dtype=jnp.float32)
    return {"x": x, "memory_keys": memory_keys, "memory_values": memory_values}


def reference(x, memory_keys, memory_values):
    # _calculate_key_similarity
    q_norm = _l2_normalize(x, axis=1)
    k_norm = _l2_normalize(memory_keys, axis=1)
    similarity = jnp.matmul(q_norm, k_norm.T)  # (B, memory_size)
    # read: top-k retrieval
    top_k_similarities, top_k_indices = jax.lax.top_k(similarity, TOP_K)  # (B, K)
    # gather voxel grids: (B, K, res, res, res)
    retrieved_values = jnp.take(memory_values, top_k_indices, axis=0)
    return (retrieved_values, top_k_indices, top_k_similarities)

if __name__ == "__main__":
    import jax
    _d = setup_inputs()
    print(jax.jit(kernel)(*tuple(_d.values())))

</pallas_src>

<mosaic_0001>
#map = affine_map<(d0, d1) -> (0, 0)>
#map1 = affine_map<(d0, d1) -> (0)>
#map2 = affine_map<(d0, d1) -> (0, 0, 0)>
module attributes {stable_mosaic.version = 14 : i64} {
  func.func @knl(%arg0: i32, %arg1: i32, %arg2: memref<100000x4096xf32, #tpu.memory_space<hbm>>, %arg3: memref<8192xi32, #tpu.memory_space<hbm>>, %arg4: memref<1024x8x4096xf32, #tpu.memory_space<hbm>>, %arg5: memref<256xi32, #tpu.memory_space<vmem>>, %arg6: memref<8x4096xf32, #tpu.memory_space<vmem>>) attributes {dimension_semantics = [#tpu.dimension_semantics<core_parallel>, #tpu.dimension_semantics<subcore_parallel>], iteration_bounds = array<i64: 2, 16>, scalar_prefetch = 0 : i64, scratch_operands = 2 : i64, tpu.core_type = #tpu.core_type<sc_vector_subcore>, window_params = [{transform_indices = #map}, {transform_indices = #map1}, {transform_indices = #map2}]} {
    %mul3A = arith.constant 16 : i32
    %mul3A_0 = arith.muli %arg0, %mul3A : i32
    %add3A = arith.addi %mul3A_0, %arg1 : i32
    %mul3A_1 = arith.constant 256 : i32
    %mul3A_2 = arith.muli %add3A, %mul3A_1 : i32
    "tpu.region"() ({
      %run_scoped3A = tpu.sem_alloc : memref<!tpu.dma_semaphore, #tpu.memory_space<semaphore_mem>>
      %dma_start3A = tpu.memref_slice %arg3[%mul3A_2] : memref<8192xi32, #tpu.memory_space<hbm>> -> memref<256xi32, #tpu.memory_space<hbm>>
      %dma_start3A_7 = tpu.memref_slice %arg3[%mul3A_2] : memref<8192xi32, #tpu.memory_space<hbm>> -> memref<256xi32, #tpu.memory_space<hbm>>
      tpu.enqueue_dma source(%dma_start3A_7 : memref<256xi32, #tpu.memory_space<hbm>>) target(%arg5 : memref<256xi32, #tpu.memory_space<vmem>>) target_semaphore(%run_scoped3A : memref<!tpu.dma_semaphore, #tpu.memory_space<semaphore_mem>>)
      %dma_wait3A = tpu.memref_slice %arg3[%mul3A_2] : memref<8192xi32, #tpu.memory_space<hbm>> -> memref<256xi32, #tpu.memory_space<hbm>>
      %dma_wait3A_8 = tpu.memref_slice %arg3[%mul3A_2] : memref<8192xi32, #tpu.memory_space<hbm>> -> memref<256xi32, #tpu.memory_space<hbm>>
      tpu.wait_dma2 semaphore(%run_scoped3A : memref<!tpu.dma_semaphore, #tpu.memory_space<semaphore_mem>>) src(%dma_wait3A_8 : memref<256xi32, #tpu.memory_space<hbm>>) dst(%arg5 : memref<256xi32, #tpu.memory_space<vmem>>)
      tpu.yield
    }) : () -> ()
    %scan3A = arith.constant 0 : i32
    %scan3A_3 = arith.constant 32 : i32
    %scan3A_4 = arith.addi %scan3A, %scan3A_3 : i32
    %scan3A_5 = arith.constant 1 : i32
    scf.for %scan3A_7 = %scan3A to %scan3A_4 step %scan3A_5  : i32 {
      %mul3A_8 = arith.constant 1 : i32
      %mul3A_9 = arith.muli %scan3A_7, %mul3A_8 : i32
      %add3A_10 = arith.constant 0 : i32
      %add3A_11 = arith.addi %add3A_10, %mul3A_9 : i32
      %mul3A_12 = arith.constant 8 : i32
      %mul3A_13 = arith.muli %add3A_11, %mul3A_12 : i32
      "tpu.region"() ({
        %run_scoped3A = tpu.sem_alloc : memref<!tpu.dma_semaphore, #tpu.memory_space<semaphore_mem>>
        %dma_start3A = tpu.memref_slice %arg5[%mul3A_13] : memref<256xi32, #tpu.memory_space<vmem>> -> memref<8xi32, #tpu.memory_space<vmem>>
        %dma_start3A_33 = arith.constant 0 : i32
        %dma_start3A_34 = arith.constant 0 : i32
        %dma_start3A_35 = tpu.memref_slice %arg2[%dma_start3A_33, %dma_start3A_34] : memref<100000x4096xf32, #tpu.memory_space<hbm>> -> memref<100000x4096xf32, #tpu.memory_space<hbm>>
        tpu.enqueue_indirect_dma source(%dma_start3A_35 : memref<100000x4096xf32, #tpu.memory_space<hbm>>) target(%arg6 : memref<8x4096xf32, #tpu.memory_space<vmem>>) offsets(%dma_start3A : memref<8xi32, #tpu.memory_space<vmem>>) semaphore(%run_scoped3A : memref<!tpu.dma_semaphore, #tpu.memory_space<semaphore_mem>>)
        %dma_wait3A = tpu.memref_slice %arg5[%mul3A_13] : memref<256xi32, #tpu.memory_space<vmem>> -> memref<8xi32, #tpu.memory_space<vmem>>
        %dma_wait3A_36 = arith.constant 0 : i32
        %dma_wait3A_37 = arith.constant 0 : i32
        %dma_wait3A_38 = tpu.memref_slice %arg2[%dma_wait3A_36, %dma_wait3A_37] : memref<100000x4096xf32, #tpu.memory_space<hbm>> -> memref<100000x4096xf32, #tpu.memory_space<hbm>>
        tpu.wait_indirect_dma semaphore(%run_scoped3A : memref<!tpu.dma_semaphore, #tpu.memory_space<semaphore_mem>>) src(%dma_wait3A_38 : memref<100000x4096xf32, #tpu.memory_space<hbm>>) dst(%arg6 : memref<8x4096xf32, #tpu.memory_space<vmem>>)
        tpu.yield
      }) : () -> ()
      %mul3A_14 = arith.constant 8 : i32
      %mul3A_15 = arith.muli %add3A_11, %mul3A_14 : i32
      %add3A_16 = arith.addi %mul3A_2, %mul3A_15 : i32
      %jit3A = arith.constant 8 : i32
      %div3A = arith.divsi %add3A_16, %jit3A : i32
      %sign3A = arith.constant 0 : i32
      %sign3A_17 = arith.cmpi sgt, %add3A_16, %sign3A : i32
      %sign3A_18 = arith.extui %sign3A_17 : i1 to i32
      %sign3A_19 = arith.constant 0 : i32
      %sign3A_20 = arith.cmpi slt, %add3A_16, %sign3A_19 : i32
      %sign3A_21 = arith.extui %sign3A_20 : i1 to i32
      %sign3A_22 = arith.subi %sign3A_18, %sign3A_21 : i32
      %sign3A_23 = arith.constant 0 : i32
      %sign3A_24 = arith.cmpi sgt, %jit3A, %sign3A_23 : i32
      %sign3A_25 = arith.extui %sign3A_24 : i1 to i32
      %sign3A_26 = arith.constant 0 : i32
      %sign3A_27 = arith.cmpi slt, %jit3A, %sign3A_26 : i32
      %sign3A_28 = arith.extui %sign3A_27 : i1 to i32
      %sign3A_29 = arith.subi %sign3A_25, %sign3A_28 : i32
      %ne3A = arith.cmpi ne, %sign3A_22, %sign3A_29 : i32
      %rem3A = arith.remsi %add3A_16, %jit3A : i32
      %ne3A_30 = arith.constant 0 : i32
      %ne3A_31 = arith.cmpi ne, %rem3A, %ne3A_30 : i32
      %and3A = arith.andi %ne3A, %ne3A_31 : i1
      %sub3A = arith.constant 1 : i32
      %sub3A_32 = arith.subi %div3A, %sub3A : i32
      %select_n3A = arith.select %and3A, %sub3A_32, %div3A : i32
      "tpu.region"() ({
        %run_scoped3A = tpu.sem_alloc : memref<!tpu.dma_semaphore, #tpu.memory_space<semaphore_mem>>
        %dma_start3A = arith.constant 0 : i32
        %dma_start3A_33 = arith.constant 0 : i32
        %dma_start3A_34 = tpu.memref_slice %arg4[%select_n3A, %dma_start3A, %dma_start3A_33] : memref<1024x8x4096xf32, #tpu.memory_space<hbm>> -> memref<1x8x4096xf32, #tpu.memory_space<hbm>>
        %dma_start3A_35 = tpu.memref_squeeze %dma_start3A_34 : memref<1x8x4096xf32, #tpu.memory_space<hbm>> -> memref<8x4096xf32, #tpu.memory_space<hbm>>
        %dma_start3A_36 = arith.constant 0 : i32
        %dma_start3A_37 = arith.constant 0 : i32
        %dma_start3A_38 = tpu.memref_slice %arg4[%select_n3A, %dma_start3A_36, %dma_start3A_37] : memref<1024x8x4096xf32, #tpu.memory_space<hbm>> -> memref<1x8x4096xf32, #tpu.memory_space<hbm>>
        %dma_start3A_39 = tpu.memref_squeeze %dma_start3A_38 : memref<1x8x4096xf32, #tpu.memory_space<hbm>> -> memref<8x4096xf32, #tpu.memory_space<hbm>>
        tpu.enqueue_dma source(%arg6 : memref<8x4096xf32, #tpu.memory_space<vmem>>) target(%dma_start3A_39 : memref<8x4096xf32, #tpu.memory_space<hbm>>) target_semaphore(%run_scoped3A : memref<!tpu.dma_semaphore, #tpu.memory_space<semaphore_mem>>)
        %dma_wait3A = arith.constant 0 : i32
        %dma_wait3A_40 = arith.constant 0 : i32
        %dma_wait3A_41 = tpu.memref_slice %arg4[%select_n3A, %dma_wait3A, %dma_wait3A_40] : memref<1024x8x4096xf32, #tpu.memory_space<hbm>> -> memref<1x8x4096xf32, #tpu.memory_space<hbm>>
        %dma_wait3A_42 = tpu.memref_squeeze %dma_wait3A_41 : memref<1x8x4096xf32, #tpu.memory_space<hbm>> -> memref<8x4096xf32, #tpu.memory_space<hbm>>
        %dma_wait3A_43 = arith.constant 0 : i32
        %dma_wait3A_44 = arith.constant 0 : i32
        %dma_wait3A_45 = tpu.memref_slice %arg4[%select_n3A, %dma_wait3A_43, %dma_wait3A_44] : memref<1024x8x4096xf32, #tpu.memory_space<hbm>> -> memref<1x8x4096xf32, #tpu.memory_space<hbm>>
        %dma_wait3A_46 = tpu.memref_squeeze %dma_wait3A_45 : memref<1x8x4096xf32, #tpu.memory_space<hbm>> -> memref<8x4096xf32, #tpu.memory_space<hbm>>
        tpu.wait_dma2 semaphore(%run_scoped3A : memref<!tpu.dma_semaphore, #tpu.memory_space<semaphore_mem>>) src(%arg6 : memref<8x4096xf32, #tpu.memory_space<vmem>>) dst(%dma_wait3A_46 : memref<8x4096xf32, #tpu.memory_space<hbm>>)
        tpu.yield
      }) : () -> ()
    }
    %scan3A_6 = arith.constant 32 : i32
    return
  }
}

module attributes {stable_mosaic.version = 14 : i64} {
  func.func @_topk_kernel(%arg0: i32, %arg1: memref<1024x256xf32, #tpu.memory_space<vmem>>, %arg2: memref<2048x256xf32, #tpu.memory_space<vmem>>, %arg3: memref<1024x8xf32, #tpu.memory_space<vmem>>, %arg4: memref<1024x8xi32, #tpu.memory_space<vmem>>, %arg5: memref<1024x8xf32, #tpu.memory_space<vmem>>) attributes {dimension_semantics = [#tpu.dimension_semantics<arbitrary>], iteration_bounds = array<i64: 49>, scalar_prefetch = 0 : i64, scratch_operands = 1 : i64, tpu.core_type = #tpu.core_type<tc>, window_params = [{pipeline_mode = #tpu.pipeline_mode<synchronous>, transform_indices = @transform_0, window_bounds = array<i64: 1024, 256>}, {transform_indices = @transform_1, window_bounds = array<i64: 2048, 256>}, {pipeline_mode = #tpu.pipeline_mode<synchronous>, transform_indices = @transform_2, window_bounds = array<i64: 1024, 8>}, {pipeline_mode = #tpu.pipeline_mode<synchronous>, transform_indices = @transform_3, window_bounds = array<i64: 1024, 8>}]} {
    %eq3A = arith.constant 0 : i32
    %eq3A_0 = arith.cmpi eq, %arg0, %eq3A : i32
    %convert_element_type3A = arith.extui %eq3A_0 : i1 to i32
    %cond3A = arith.constant 0 : i32
    %cond3A_1 = arith.cmpi ne, %convert_element_type3A, %cond3A : i32
    scf.if %cond3A_1 {
      %broadcast_in_dim3A_653 = arith.constant 0xFF800000 : f32
      %broadcast_in_dim3A_654 = vector.broadcast %broadcast_in_dim3A_653 : f32 to vector<1024x8xf32>
      %swap3A_655 = arith.constant 0 : index
      %swap3A_656 = arith.constant 0 : index
      %swap3A_657 = vector.load %arg3[%swap3A_655, %swap3A_656] : memref<1024x8xf32, #tpu.memory_space<vmem>>, vector<1024x8xf32>
      tpu.vector_store %arg3[%swap3A_655, %swap3A_656], %broadcast_in_dim3A_654 {strides = array<i32>} : memref<1024x8xf32, #tpu.memory_space<vmem>>, vector<1024x8xf32>,
      %broadcast_in_dim3A_658 = arith.constant 0.000000e+00 : f32
      %broadcast_in_dim3A_659 = vector.broadcast %broadcast_in_dim3A_658 : f32 to vector<1024x8xf32>
      %swap3A_660 = arith.constant 0 : index
      %swap3A_661 = arith.constant 0 : index
      %swap3A_662 = vector.load %arg5[%swap3A_660, %swap3A_661] : memref<1024x8xf32, #tpu.memory_space<vmem>>, vector<1024x8xf32>
      tpu.vector_store %arg5[%swap3A_660, %swap3A_661], %broadcast_in_dim3A_659 {strides = array<i32>} : memref<1024x8xf32, #tpu.memory_space<vmem>>, vector<1024x8xf32>,
    } else {
    }
    %get3A = arith.constant 0 : index
    %get3A_2 = arith.constant 0 : index
    %get3A_3 = vector.load %arg2[%get3A, %get3A_2] : memref<2048x256xf32, #tpu.memory_space<vmem>>, vector<2048x256xf32>
    %iota3A = tpu.iota {dimensions = array<i32: 0>} : vector<2048x256xi32>
    %mul3A = arith.constant 2048 : i32
    %mul3A_4 = arith.muli %arg0, %mul3A : i32
    %add3A = vector.broadcast %mul3A_4 : i32 to vector<2048x256xi32>
    %add3A_5 = arith.addi %iota3A, %add3A : vector<2048x256xi32>
    %lt3A = arith.constant 100000 : i32
    %lt3A_6 = vector.broadcast %lt3A : i32 to vector<2048x256xi32>
    %lt3A_7 = arith.cmpi slt, %add3A_5, %lt3A_6 : vector<2048x256xi32>
    %jit3A = arith.constant 0.000000e+00 : f32
    %broadcast_in_dim3A = vector.broadcast %jit3A : f32 to vector<2048x256xf32>
    %select_n3A = arith.select %lt3A_7, %get3A_3, %broadcast_in_dim3A : vector<2048x256xi1>, vector<2048x256xf32>
    %get3A_8 = arith.constant 0 : index
    %get3A_9 = arith.constant 0 : index
    %get3A_10 = vector.load %arg1[%get3A_8, %get3A_9] : memref<1024x256xf32, #tpu.memory_space<vmem>>, vector<1024x256xf32>
    %dot_general3A = arith.constant dense<0.000000e+00> : vector<1024x2048xf32>
    %dot_general3A_11 = tpu.matmul %get3A_10, %select_n3A, %dot_general3A {dimension_numbers = #tpu.dot_dimension_numbers<[1], [1], [0], [0], [0, 0, 1, 0], [], []>, transpose_lhs_hint = false} : vector<1024x256xf32>, vector<2048x256xf32>, vector<1024x2048xf32> -> vector<1024x2048xf32>
    %iota3A_12 = tpu.iota {dimensions = array<i32: 1>} : vector<1024x128xi32>
    %convert_element_type3A_13 = arith.sitofp %iota3A_12 : vector<1024x128xi32> to vector<1024x128xf32>
    %broadcast_in_dim3A_14 = arith.constant 0xFF800000 : f32
    %broadcast_in_dim3A_15 = vector.broadcast %broadcast_in_dim3A_14 : f32 to vector<1024x128xf32>
    %broadcast_in_dim3A_16 = arith.constant -1.000000e+00 : f32
    %broadcast_in_dim3A_17 = vector.broadcast %broadcast_in_dim3A_16 : f32 to vector<1024x128xf32>
    %mul3A_18 = arith.constant 2048 : i32
    %mul3A_19 = arith.muli %arg0, %mul3A_18 : i32
    %convert_element_type3A_20 = arith.sitofp %mul3A_19 : i32 to f32
    %slice3A = vector.extract_strided_slice %dot_general3A_11 {offsets = [0, 0], sizes = [1024, 128], strides = [1, 1]} : vector<1024x2048xf32> to vector<1024x128xf32>
    %add3A_21 = arith.constant 0.000000e+00 : f32
    %add3A_22 = arith.addf %convert_element_type3A_20, %add3A_21 : f32
    %add3A_23 = vector.broadcast %add3A_22 : f32 to vector<1024x128xf32>
    %add3A_24 = arith.addf %convert_element_type3A_13, %add3A_23 : vector<1024x128xf32>
    %gt3A = arith.cmpf ogt, %slice3A, %broadcast_in_dim3A_15 : vector<1024x128xf32>
    %gt3A_25 = arith.cmpf ogt, %slice3A, %broadcast_in_dim3A_15 : vector<1024x128xf32>
    %gt3A_26 = arith.cmpf ogt, %slice3A, %broadcast_in_dim3A_15 : vector<1024x128xf32>
    %select_n3A_27 = arith.select %gt3A, %slice3A, %broadcast_in_dim3A_15 : vector<1024x128xi1>, vector<1024x128xf32>
    %select_n3A_28 = arith.select %gt3A, %add3A_24, %broadcast_in_dim3A_17 : vector<1024x128xi1>, vector<1024x128xf32>
    %select_n3A_29 = arith.select %gt3A_25, %slice3A, %broadcast_in_dim3A_15 : vector<1024x128xi1>, vector<1024x128xf32>
    %select_n3A_30 = arith.select %gt3A, %broadcast_in_dim3A_15, %select_n3A_29 : vector<1024x128xi1>, vector<1024x128xf32>
    %select_n3A_31 = arith.select %gt3A_25, %add3A_24, %broadcast_in_dim3A_17 : vector<1024x128xi1>, vector<1024x128xf32>
    %select_n3A_32 = arith.select %gt3A, %broadcast_in_dim3A_17, %select_n3A_31 : vector<1024x128xi1>, vector<1024x128xf32>
    %or3A = arith.ori %gt3A, %gt3A_25 : vector<1024x128xi1>
    %select_n3A_33 = arith.select %gt3A_26, %slice3A, %broadcast_in_dim3A_15 : vector<1024x128xi1>, vector<1024x128xf32>
    %select_n3A_34 = arith.select %or3A, %broadcast_in_dim3A_15, %select_n3A_33 : vector<1024x128xi1>, vector<1024x128xf32>
    %or3A_35 = arith.ori %gt3A, %gt3A_25 : vector<1024x128xi1>
    %select_n3A_36 = arith.select %gt3A_26, %add3A_24, %broadcast_in_dim3A_17 : vector<1024x128xi1>, vector<1024x128xf32>
    %select_n3A_37 = arith.select %or3A_35, %broadcast_in_dim3A_17, %select_n3A_36 : vector<1024x128xi1>, vector<1024x128xf32>
    %slice3A_38 = vector.extract_strided_slice %dot_general3A_11 {offsets = [0, 128], sizes = [1024, 128], strides = [1, 1]} : vector<1024x2048xf32> to vector<1024x128xf32>
    %add3A_39 = arith.constant 1.280000e+02 : f32
    %add3A_40 = arith.addf %convert_element_type3A_20, %add3A_39 : f32
    %add3A_41 = vector.broadcast %add3A_40 : f32 to vector<1024x128xf32>
    %add3A_42 = arith.addf %convert_element_type3A_13, %add3A_41 : vector<1024x128xf32>
    %gt3A_43 = arith.cmpf ogt, %slice3A_38, %select_n3A_27 : vector<1024x128xf32>
    %gt3A_44 = arith.cmpf ogt, %slice3A_38, %select_n3A_30 : vector<1024x128xf32>
    %gt3A_45 = arith.cmpf ogt, %slice3A_38, %select_n3A_34 : vector<1024x128xf32>
    %select_n3A_46 = arith.select %gt3A_43, %slice3A_38, %select_n3A_27 : vector<1024x128xi1>, vector<1024x128xf32>
    %select_n3A_47 = arith.select %gt3A_43, %add3A_42, %select_n3A_28 : vector<1024x128xi1>, vector<1024x128xf32>
    %select_n3A_48 = arith.select %gt3A_44, %slice3A_38, %select_n3A_30 : vector<1024x128xi1>, vector<1024x128xf32>
    %select_n3A_49 = arith.select %gt3A_43, %select_n3A_27, %select_n3A_48 : vector<1024x128xi1>, vector<1024x128xf32>
    %select_n3A_50 = arith.select %gt3A_44, %add3A_42, %select_n3A_32 : vector<1024x128xi1>, vector<1024x128xf32>
    %select_n3A_51 = arith.select %gt3A_43, %select_n3A_28, %select_n3A_50 : vector<1024x128xi1>, vector<1024x128xf32>
    %or3A_52 = arith.ori %gt3A_43, %gt3A_44 : vector<1024x128xi1>
    %select_n3A_53 = arith.select %gt3A_45, %slice3A_38, %select_n3A_34 : vector<1024x128xi1>, vector<1024x128xf32>
    %select_n3A_54 = arith.select %or3A_52, %select_n3A_30, %select_n3A_53 : vector<1024x128xi1>, vector<1024x128xf32>
    %or3A_55 = arith.ori %gt3A_43, %gt3A_44 : vector<1024x128xi1>
    %select_n3A_56 = arith.select %gt3A_45, %add3A_42, %select_n3A_37 : vector<1024x128xi1>, vector<1024x128xf32>
    %select_n3A_57 = arith.select %or3A_55, %select_n3A_32, %select_n3A_56 : vector<1024x128xi1>, vector<1024x128xf32>
    %slice3A_58 = vector.extract_strided_slice %dot_general3A_11 {offsets = [0, 256], sizes = [1024, 128], strides = [1, 1]} : vector<1024x2048xf32> to vector<1024x128xf32>
    %add3A_59 = arith.constant 2.560000e+02 : f32
    %add3A_60 = arith.addf %convert_element_type3A_20, %add3A_59 : f32
    %add3A_61 = vector.broadcast %add3A_60 : f32 to vector<1024x128xf32>
    %add3A_62 = arith.addf %convert_element_type3A_13, %add3A_61 : vector<1024x128xf32>
    %gt3A_63 = arith.cmpf ogt, %slice3A_58, %select_n3A_46 : vector<1024x128xf32>
    %gt3A_64 = arith.cmpf ogt, %slice3A_58, %select_n3A_49 : vector<1024x128xf32>
    %gt3A_65 = arith.cmpf ogt, %slice3A_58, %select_n3A_54 : vector<1024x128xf32>
    %select_n3A_66 = arith.select %gt3A_63, %slice3A_58, %select_n3A_46 : vector<1024x128xi1>, vector<1024x128xf32>
    %select_n3A_67 = arith.select %gt3A_63, %add3A_62, %select_n3A_47 : vector<1024x128xi1>, vector<1024x128xf32>
    %select_n3A_68 = arith.select %gt3A_64, %slice3A_58, %select_n3A_49 : vector<1024x128xi1>, vector<1024x128xf32>
    %select_n3A_69 = arith.select %gt3A_63, %select_n3A_46, %select_n3A_68 : vector<1024x128xi1>, vector<1024x128xf32>
    %select_n3A_70 = arith.select %gt3A_64, %add3A_62, %select_n3A_51 : vector<1024x128xi1>, vector<1024x128xf32>
    %select_n3A_71 = arith.select %gt3A_63, %select_n3A_47, %select_n3A_70 : vector<1024x128xi1>, vector<1024x128xf32>
    %or3A_72 = arith.ori %gt3A_63, %gt3A_64 : vector<1024x128xi1>
    %select_n3A_73 = arith.select %gt3A_65, %slice3A_58, %select_n3A_54 : vector<1024x128xi1>, vector<1024x128xf32>
    %select_n3A_74 = arith.select %or3A_72, %select_n3A_49, %select_n3A_73 : vector<1024x128xi1>, vector<1024x128xf32>
    %or3A_75 = arith.ori %gt3A_63, %gt3A_64 : vector<1024x128xi1>
    %select_n3A_76 = arith.select %gt3A_65, %add3A_62, %select_n3A_57 : vector<1024x128xi1>, vector<1024x128xf32>
    %select_n3A_77 = arith.select %or3A_75, %select_n3A_51, %select_n3A_76 : vector<1024x128xi1>, vector<1024x128xf32>
    %slice3A_78 = vector.extract_strided_slice %dot_general3A_11 {offsets = [0, 384], sizes = [1024, 128], strides = [1, 1]} : vector<1024x2048xf32> to vector<1024x128xf32>
    %add3A_79 = arith.constant 3.840000e+02 : f32
    %add3A_80 = arith.addf %convert_element_type3A_20, %add3A_79 : f32
    %add3A_81 = vector.broadcast %add3A_80 : f32 to vector<1024x128xf32>
    %add3A_82 = arith.addf %convert_element_type3A_13, %add3A_81 : vector<1024x128xf32>
    %gt3A_83 = arith.cmpf ogt, %slice3A_78, %select_n3A_66 : vector<1024x128xf32>
    %gt3A_84 = arith.cmpf ogt, %slice3A_78, %select_n3A_69 : vector<1024x128xf32>
    %gt3A_85 = arith.cmpf ogt, %slice3A_78, %select_n3A_74 : vector<1024x128xf32>
    %select_n3A_86 = arith.select %gt3A_83, %slice3A_78, %select_n3A_66 : vector<1024x128xi1>, vector<1024x128xf32>
    %select_n3A_87 = arith.select %gt3A_83, %add3A_82, %select_n3A_67 : vector<1024x128xi1>, vector<1024x128xf32>
    %select_n3A_88 = arith.select %gt3A_84, %slice3A_78, %select_n3A_69 : vector<1024x128xi1>, vector<1024x128xf32>
    %select_n3A_89 = arith.select %gt3A_83, %select_n3A_66, %select_n3A_88 : vector<1024x128xi1>, vector<1024x128xf32>
    %select_n3A_90 = arith.select %gt3A_84, %add3A_82, %select_n3A_71 : vector<1024x128xi1>, vector<1024x128xf32>
    %select_n3A_91 = arith.select %gt3A_83, %select_n3A_67, %select_n3A_90 : vector<1024x128xi1>, vector<1024x128xf32>
    %or3A_92 = arith.ori %gt3A_83, %gt3A_84 : vector<1024x128xi1>
    %select_n3A_93 = arith.select %gt3A_85, %slice3A_78, %select_n3A_74 : vector<1024x128xi1>, vector<1024x128xf32>
    %select_n3A_94 = arith.select %or3A_92, %select_n3A_69, %select_n3A_93 : vector<1024x128xi1>, vector<1024x128xf32>
    %or3A_95 = arith.ori %gt3A_83, %gt3A_84 : vector<1024x128xi1>
    %select_n3A_96 = arith.select %gt3A_85, %add3A_82, %select_n3A_77 : vector<1024x128xi1>, vector<1024x128xf32>
    %select_n3A_97 = arith.select %or3A_95, %select_n3A_71, %select_n3A_96 : vector<1024x128xi1>, vector<1024x128xf32>
    %slice3A_98 = vector.extract_strided_slice %dot_general3A_11 {offsets = [0, 512], sizes = [1024, 128], strides = [1, 1]} : vector<1024x2048xf32> to vector<1024x128xf32>
    %add3A_99 = arith.constant 5.120000e+02 : f32
    %add3A_100 = arith.addf %convert_element_type3A_20, %add3A_99 : f32
    %add3A_101 = vector.broadcast %add3A_100 : f32 to vector<1024x128xf32>
    %add3A_102 = arith.addf %convert_element_type3A_13, %add3A_101 : vector<1024x128xf32>
    %gt3A_103 = arith.cmpf ogt, %slice3A_98, %select_n3A_86 : vector<1024x128xf32>
    %gt3A_104 = arith.cmpf ogt, %slice3A_98, %select_n3A_89 : vector<1024x128xf32>
    %gt3A_105 = arith.cmpf ogt, %slice3A_98, %select_n3A_94 : vector<1024x128xf32>
    %select_n3A_106 = arith.select %gt3A_103, %slice3A_98, %select_n3A_86 : vector<1024x128xi1>, vector<1024x128xf32>
    %select_n3A_107 = arith.select %gt3A_103, %add3A_102, %select_n3A_87 : vector<1024x128xi1>, vector<1024x128xf32>
    %select_n3A_108 = arith.select %gt3A_104, %slice3A_98, %select_n3A_89 : vector<1024x128xi1>, vector<1024x128xf32>
    %select_n3A_109 = arith.select %gt3A_103, %select_n3A_86, %select_n3A_108 : vector<1024x128xi1>, vector<1024x128xf32>
    %select_n3A_110 = arith.select %gt3A_104, %add3A_102, %select_n3A_91 : vector<1024x128xi1>, vector<1024x128xf32>
    %select_n3A_111 = arith.select %gt3A_103, %select_n3A_87, %select_n3A_110 : vector<1024x128xi1>, vector<1024x128xf32>
    %or3A_112 = arith.ori %gt3A_103, %gt3A_104 : vector<1024x128xi1>
    %select_n3A_113 = arith.select %gt3A_105, %slice3A_98, %select_n3A_94 : vector<1024x128xi1>, vector<1024x128xf32>
    %select_n3A_114 = arith.select %or3A_112, %select_n3A_89, %select_n3A_113 : vector<1024x128xi1>, vector<1024x128xf32>
    %or3A_115 = arith.ori %gt3A_103, %gt3A_104 : vector<1024x128xi1>
    %select_n3A_116 = arith.select %gt3A_105, %add3A_102, %select_n3A_97 : vector<1024x128xi1>, vector<1024x128xf32>
    %select_n3A_117 = arith.select %or3A_115, %select_n3A_91, %select_n3A_116 : vector<1024x128xi1>, vector<1024x128xf32>
    %slice3A_118 = vector.extract_strided_slice %dot_general3A_11 {offsets = [0, 640], sizes = [1024, 128], strides = [1, 1]} : vector<1024x2048xf32> to vector<1024x128xf32>
    %add3A_119 = arith.constant 6.400000e+02 : f32
    %add3A_120 = arith.addf %convert_element_type3A_20, %add3A_119 : f32
    %add3A_121 = vector.broadcast %add3A_120 : f32 to vector<1024x128xf32>
    %add3A_122 = arith.addf %convert_element_type3A_13, %add3A_121 : vector<1024x128xf32>
    %gt3A_123 = arith.cmpf ogt, %slice3A_118, %select_n3A_106 : vector<1024x128xf32>
    %gt3A_124 = arith.cmpf ogt, %slice3A_118, %select_n3A_109 : vector<1024x128xf32>
    %gt3A_125 = arith.cmpf ogt, %slice3A_118, %select_n3A_114 : vector<1024x128xf32>
    %select_n3A_126 = arith.select %gt3A_123, %slice3A_118, %select_n3A_106 : vector<1024x128xi1>, vector<1024x128xf32>
    %select_n3A_127 = arith.select %gt3A_123, %add3A_122, %select_n3A_107 : vector<1024x128xi1>, vector<1024x128xf32>
    %select_n3A_128 = arith.select %gt3A_124, %slice3A_118, %select_n3A_109 : vector<1024x128xi1>, vector<1024x128xf32>
    %select_n3A_129 = arith.select %gt3A_123, %select_n3A_106, %select_n3A_128 : vector<1024x128xi1>, vector<1024x128xf32>
    %select_n3A_130 = arith.select %gt3A_124, %add3A_122, %select_n3A_111 : vector<1024x128xi1>, vector<1024x128xf32>
    %select_n3A_131 = arith.select %gt3A_123, %select_n3A_107, %select_n3A_130 : vector<1024x128xi1>, vector<1024x128xf32>
    %or3A_132 = arith.ori %gt3A_123, %gt3A_124 : vector<1024x128xi1>
    %select_n3A_133 = arith.select %gt3A_125, %slice3A_118, %select_n3A_114 : vector<1024x128xi1>, vector<1024x128xf32>
    %select_n3A_134 = arith.select %or3A_132, %select_n3A_109, %select_n3A_133 : vector<1024x128xi1>, vector<1024x128xf32>
    %or3A_135 = arith.ori %gt3A_123, %gt3A_124 : vector<1024x128xi1>
    %select_n3A_136 = arith.select %gt3A_125, %add3A_122, %select_n3A_117 : vector<1024x128xi1>, vector<1024x128xf32>
    %select_n3A_137 = arith.select %or3A_135, %select_n3A_111, %select_n3A_136 : vector<1024x128xi1>, vector<1024x128xf32>
    %slice3A_138 = vector.extract_strided_slice %dot_general3A_11 {offsets = [0, 768], sizes = [1024, 128], strides = [1, 1]} : vector<1024x2048xf32> to vector<1024x128xf32>
    %add3A_139 = arith.constant 7.680000e+02 : f32
    %add3A_140 = arith.addf %convert_element_type3A_20, %add3A_139 : f32
    %add3A_141 = vector.broadcast %add3A_140 : f32 to vector<1024x128xf32>
    %add3A_142 = arith.addf %convert_element_type3A_13, %add3A_141 : vector<1024x128xf32>
    %gt3A_143 = arith.cmpf ogt, %slice3A_138, %select_n3A_126 : vector<1024x128xf32>
    %gt3A_144 = arith.cmpf ogt, %slice3A_138, %select_n3A_129 : vector<1024x128xf32>
    %gt3A_145 = arith.cmpf ogt, %slice3A_138, %select_n3A_134 : vector<1024x128xf32>
    %select_n3A_146 = arith.select %gt3A_143, %slice3A_138, %select_n3A_126 : vector<1024x128xi1>, vector<1024x128xf32>
    %select_n3A_147 = arith.select %gt3A_143, %add3A_142, %select_n3A_127 : vector<1024x128xi1>, vector<1024x128xf32>
    %select_n3A_148 = arith.select %gt3A_144, %slice3A_138, %select_n3A_129 : vector<1024x128xi1>, vector<1024x128xf32>
    %select_n3A_149 = arith.select %gt3A_143, %select_n3A_126, %select_n3A_148 : vector<1024x128xi1>, vector<1024x128xf32>
    %select_n3A_150 = arith.select %gt3A_144, %add3A_142, %select_n3A_131 : vector<1024x128xi1>, vector<1024x128xf32>
    %select_n3A_151 = arith.select %gt3A_143, %select_n3A_127, %select_n3A_150 : vector<1024x128xi1>, vector<1024x128xf32>
    %or3A_152 = arith.ori %gt3A_143, %gt3A_144 : vector<1024x128xi1>
    %select_n3A_153 = arith.select %gt3A_145, %slice3A_138, %select_n3A_134 : vector<1024x128xi1>, vector<1024x128xf32>
    %select_n3A_154 = arith.select %or3A_152, %select_n3A_129, %select_n3A_153 : vector<1024x128xi1>, vector<1024x128xf32>
    %or3A_155 = arith.ori %gt3A_143, %gt3A_144 : vector<1024x128xi1>
    %select_n3A_156 = arith.select %gt3A_145, %add3A_142, %select_n3A_137 : vector<1024x128xi1>, vector<1024x128xf32>
    %select_n3A_157 = arith.select %or3A_155, %select_n3A_131, %select_n3A_156 : vector<1024x128xi1>, vector<1024x128xf32>
    %slice3A_158 = vector.extract_strided_slice %dot_general3A_11 {offsets = [0, 896], sizes = [1024, 128], strides = [1, 1]} : vector<1024x2048xf32> to vector<1024x128xf32>
    %add3A_159 = arith.constant 8.960000e+02 : f32
    %add3A_160 = arith.addf %convert_element_type3A_20, %add3A_159 : f32
    %add3A_161 = vector.broadcast %add3A_160 : f32 to vector<1024x128xf32>
    %add3A_162 = arith.addf %convert_element_type3A_13, %add3A_161 : vector<1024x128xf32>
    %gt3A_163 = arith.cmpf ogt, %slice3A_158, %select_n3A_146 : vector<1024x128xf32>
    %gt3A_164 = arith.cmpf ogt, %slice3A_158, %select_n3A_149 : vector<1024x128xf32>
    %gt3A_165 = arith.cmpf ogt, %slice3A_158, %select_n3A_154 : vector<1024x128xf32>
    %select_n3A_166 = arith.select %gt3A_163, %slice3A_158, %select_n3A_146 : vector<1024x128xi1>, vector<1024x128xf32>
    %select_n3A_167 = arith.select %gt3A_163, %add3A_162, %select_n3A_147 : vector<1024x128xi1>, vector<1024x128xf32>
    %select_n3A_168 = arith.select %gt3A_164, %slice3A_158, %select_n3A_149 : vector<1024x128xi1>, vector<1024x128xf32>
    %select_n3A_169 = arith.select %gt3A_163, %select_n3A_146, %select_n3A_168 : vector<1024x128xi1>, vector<1024x128xf32>
    %select_n3A_170 = arith.select %gt3A_164, %add3A_162, %select_n3A_151 : vector<1024x128xi1>, vector<1024x128xf32>
    %select_n3A_171 = arith.select %gt3A_163, %select_n3A_147, %select_n3A_170 : vector<1024x128xi1>, vector<1024x128xf32>
    %or3A_172 = arith.ori %gt3A_163, %gt3A_164 : vector<1024x128xi1>
    %select_n3A_173 = arith.select %gt3A_165, %slice3A_158, %select_n3A_154 : vector<1024x128xi1>, vector<1024x128xf32>
    %select_n3A_174 = arith.select %or3A_172, %select_n3A_149, %select_n3A_173 : vector<1024x128xi1>, vector<1024x128xf32>
    %or3A_175 = arith.ori %gt3A_163, %gt3A_164 : vector<1024x128xi1>
    %select_n3A_176 = arith.select %gt3A_165, %add3A_162, %select_n3A_157 : vector<1024x128xi1>, vector<1024x128xf32>
    %select_n3A_177 = arith.select %or3A_175, %select_n3A_151, %select_n3A_176 : vector<1024x128xi1>, vector<1024x128xf32>
    %slice3A_178 = vector.extract_strided_slice %dot_general3A_11 {offsets = [0, 1024], sizes = [1024, 128], strides = [1, 1]} : vector<1024x2048xf32> to vector<1024x128xf32>
    %add3A_179 = arith.constant 1.024000e+03 : f32
    %add3A_180 = arith.addf %convert_element_type3A_20, %add3A_179 : f32
    %add3A_181 = vector.broadcast %add3A_180 : f32 to vector<1024x128xf32>
    %add3A_182 = arith.addf %convert_element_type3A_13, %add3A_181 : vector<1024x128xf32>
    %gt3A_183 = arith.cmpf ogt, %slice3A_178, %select_n3A_166 : vector<1024x128xf32>
    %gt3A_184 = arith.cmpf ogt, %slice3A_178, %select_n3A_169 : vector<1024x128xf32>
    %gt3A_185 = arith.cmpf ogt, %slice3A_178, %select_n3A_174 : vector<1024x128xf32>
    %select_n3A_186 = arith.select %gt3A_183, %slice3A_178, %select_n3A_166 : vector<1024x128xi1>, vector<1024x128xf32>
    %select_n3A_187 = arith.select %gt3A_183, %add3A_182, %select_n3A_167 : vector<1024x128xi1>, vector<1024x128xf32>
    %select_n3A_188 = arith.select %gt3A_184, %slice3A_178, %select_n3A_169 : vector<1024x128xi1>, vector<1024x128xf32>
    %select_n3A_189 = arith.select %gt3A_183, %select_n3A_166, %select_n3A_188 : vector<1024x128xi1>, vector<1024x128xf32>
    %select_n3A_190 = arith.select %gt3A_184, %add3A_182, %select_n3A_171 : vector<1024x128xi1>, vector<1024x128xf32>
    %select_n3A_191 = arith.select %gt3A_183, %select_n3A_167, %select_n3A_190 : vector<1024x128xi1>, vector<1024x128xf32>
    %or3A_192 = arith.ori %gt3A_183, %gt3A_184 : vector<1024x128xi1>
    %select_n3A_193 = arith.select %gt3A_185, %slice3A_178, %select_n3A_174 : vector<1024x128xi1>, vector<1024x128xf32>
    %select_n3A_194 = arith.select %or3A_192, %select_n3A_169, %select_n3A_193 : vector<1024x128xi1>, vector<1024x128xf32>
    %or3A_195 = arith.ori %gt3A_183, %gt3A_184 : vector<1024x128xi1>
    %select_n3A_196 = arith.select %gt3A_185, %add3A_182, %select_n3A_177 : vector<1024x128xi1>, vector<1024x128xf32>
    %select_n3A_197 = arith.select %or3A_195, %select_n3A_171, %select_n3A_196 : vector<1024x128xi1>, vector<1024x128xf32>
    %slice3A_198 = vector.extract_strided_slice %dot_general3A_11 {offsets = [0, 1152], sizes = [1024, 128], strides = [1, 1]} : vector<1024x2048xf32> to vector<1024x128xf32>
    %add3A_199 = arith.constant 1.152000e+03 : f32
    %add3A_200 = arith.addf %convert_element_type3A_20, %add3A_199 : f32
    %add3A_201 = vector.broadcast %add3A_200 : f32 to vector<1024x128xf32>
    %add3A_202 = arith.addf %convert_element_type3A_13, %add3A_201 : vector<1024x128xf32>
    %gt3A_203 = arith.cmpf ogt, %slice3A_198, %select_n3A_186 : vector<1024x128xf32>
    %gt3A_204 = arith.cmpf ogt, %slice3A_198, %select_n3A_189 : vector<1024x128xf32>
    %gt3A_205 = arith.cmpf ogt, %slice3A_198, %select_n3A_194 : vector<1024x128xf32>
    %select_n3A_206 = arith.select %gt3A_203, %slice3A_198, %select_n3A_186 : vector<1024x128xi1>, vector<1024x128xf32>
    %select_n3A_207 = arith.select %gt3A_203, %add3A_202, %select_n3A_187 : vector<1024x128xi1>, vector<1024x128xf32>
    %select_n3A_208 = arith.select %gt3A_204, %slice3A_198, %select_n3A_189 : vector<1024x128xi1>, vector<1024x128xf32>
    %select_n3A_209 = arith.select %gt3A_203, %select_n3A_186, %select_n3A_208 : vector<1024x128xi1>, vector<1024x128xf32>
    %select_n3A_210 = arith.select %gt3A_204, %add3A_202, %select_n3A_191 : vector<1024x128xi1>, vector<1024x128xf32>
    %select_n3A_211 = arith.select %gt3A_203, %select_n3A_187, %select_n3A_210 : vector<1024x128xi1>, vector<1024x128xf32>
    %or3A_212 = arith.ori %gt3A_203, %gt3A_204 : vector<1024x128xi1>
    %select_n3A_213 = arith.select %gt3A_205, %slice3A_198, %select_n3A_194 : vector<1024x128xi1>, vector<1024x128xf32>
    %select_n3A_214 = arith.select %or3A_212, %select_n3A_189, %select_n3A_213 : vector<1024x128xi1>, vector<1024x128xf32>
    %or3A_215 = arith.ori %gt3A_203, %gt3A_204 : vector<1024x128xi1>
    %select_n3A_216 = arith.select %gt3A_205, %add3A_202, %select_n3A_197 : vector<1024x128xi1>, vector<1024x128xf32>
    %select_n3A_217 = arith.select %or3A_215, %select_n3A_191, %select_n3A_216 : vector<1024x128xi1>, vector<1024x128xf32>
    %slice3A_218 = vector.extract_strided_slice %dot_general3A_11 {offsets = [0, 1280], sizes = [1024, 128], strides = [1, 1]} : vector<1024x2048xf32> to vector<1024x128xf32>
    %add3A_219 = arith.constant 1.280000e+03 : f32
    %add3A_220 = arith.addf %convert_element_type3A_20, %add3A_219 : f32
    %add3A_221 = vector.broadcast %add3A_220 : f32 to vector<1024x128xf32>
    %add3A_222 = arith.addf %convert_element_type3A_13, %add3A_221 : vector<1024x128xf32>
    %gt3A_223 = arith.cmpf ogt, %slice3A_218, %select_n3A_206 : vector<1024x128xf32>
    %gt3A_224 = arith.cmpf ogt, %slice3A_218, %select_n3A_209 : vector<1024x128xf32>
    %gt3A_225 = arith.cmpf ogt, %slice3A_218, %select_n3A_214 : vector<1024x128xf32>
    %select_n3A_226 = arith.select %gt3A_223, %slice3A_218, %select_n3A_206 : vector<1024x128xi1>, vector<1024x128xf32>
    %select_n3A_227 = arith.select %gt3A_223, %add3A_222, %select_n3A_207 : vector<1024x128xi1>, vector<1024x128xf32>
    %select_n3A_228 = arith.select %gt3A_224, %slice3A_218, %select_n3A_209 : vector<1024x128xi1>, vector<1024x128xf32>
    %select_n3A_229 = arith.select %gt3A_223, %select_n3A_206, %select_n3A_228 : vector<1024x128xi1>, vector<1024x128xf32>
    %select_n3A_230 = arith.select %gt3A_224, %add3A_222, %select_n3A_211 : vector<1024x128xi1>, vector<1024x128xf32>
    %select_n3A_231 = arith.select %gt3A_223, %select_n3A_207, %select_n3A_230 : vector<1024x128xi1>, vector<1024x128xf32>
    %or3A_232 = arith.ori %gt3A_223, %gt3A_224 : vector<1024x128xi1>
    %select_n3A_233 = arith.select %gt3A_225, %slice3A_218, %select_n3A_214 : vector<1024x128xi1>, vector<1024x128xf32>
    %select_n3A_234 = arith.select %or3A_232, %select_n3A_209, %select_n3A_233 : vector<1024x128xi1>, vector<1024x128xf32>
    %or3A_235 = arith.ori %gt3A_223, %gt3A_224 : vector<1024x128xi1>
    %select_n3A_236 = arith.select %gt3A_225, %add3A_222, %select_n3A_217 : vector<1024x128xi1>, vector<1024x128xf32>
    %select_n3A_237 = arith.select %or3A_235, %select_n3A_211, %select_n3A_236 : vector<1024x128xi1>, vector<1024x128xf32>
    %slice3A_238 = vector.extract_strided_slice %dot_general3A_11 {offsets = [0, 1408], sizes = [1024, 128], strides = [1, 1]} : vector<1024x2048xf32> to vector<1024x128xf32>
    %add3A_239 = arith.constant 1.408000e+03 : f32
    %add3A_240 = arith.addf %convert_element_type3A_20, %add3A_239 : f32
    %add3A_241 = vector.broadcast %add3A_240 : f32 to vector<1024x128xf32>
    %add3A_242 = arith.addf %convert_element_type3A_13, %add3A_241 : vector<1024x128xf32>
    %gt3A_243 = arith.cmpf ogt, %slice3A_238, %select_n3A_226 : vector<1024x128xf32>
    %gt3A_244 = arith.cmpf ogt, %slice3A_238, %select_n3A_229 : vector<1024x128xf32>
    %gt3A_245 = arith.cmpf ogt, %slice3A_238, %select_n3A_234 : vector<1024x128xf32>
    %select_n3A_246 = arith.select %gt3A_243, %slice3A_238, %select_n3A_226 : vector<1024x128xi1>, vector<1024x128xf32>
    %select_n3A_247 = arith.select %gt3A_243, %add3A_242, %select_n3A_227 : vector<1024x128xi1>, vector<1024x128xf32>
    %select_n3A_248 = arith.select %gt3A_244, %slice3A_238, %select_n3A_229 : vector<1024x128xi1>, vector<1024x128xf32>
    %select_n3A_249 = arith.select %gt3A_243, %select_n3A_226, %select_n3A_248 : vector<1024x128xi1>, vector<1024x128xf32>
    %select_n3A_250 = arith.select %gt3A_244, %add3A_242, %select_n3A_231 : vector<1024x128xi1>, vector<1024x128xf32>
    %select_n3A_251 = arith.select %gt3A_243, %select_n3A_227, %select_n3A_250 : vector<1024x128xi1>, vector<1024x128xf32>
    %or3A_252 = arith.ori %gt3A_243, %gt3A_244 : vector<1024x128xi1>
    %select_n3A_253 = arith.select %gt3A_245, %slice3A_238, %select_n3A_234 : vector<1024x128xi1>, vector<1024x128xf32>
    %select_n3A_254 = arith.select %or3A_252, %select_n3A_229, %select_n3A_253 : vector<1024x128xi1>, vector<1024x128xf32>
    %or3A_255 = arith.ori %gt3A_243, %gt3A_244 : vector<1024x128xi1>
    %select_n3A_256 = arith.select %gt3A_245, %add3A_242, %select_n3A_237 : vector<1024x128xi1>, vector<1024x128xf32>
    %select_n3A_257 = arith.select %or3A_255, %select_n3A_231, %select_n3A_256 : vector<1024x128xi1>, vector<1024x128xf32>
    %slice3A_258 = vector.extract_strided_slice %dot_general3A_11 {offsets = [0, 1536], sizes = [1024, 128], strides = [1, 1]} : vector<1024x2048xf32> to vector<1024x128xf32>
    %add3A_259 = arith.constant 1.536000e+03 : f32
    %add3A_260 = arith.addf %convert_element_type3A_20, %add3A_259 : f32
    %add3A_261 = vector.broadcast %add3A_260 : f32 to vector<1024x128xf32>
    %add3A_262 = arith.addf %convert_element_type3A_13, %add3A_261 : vector<1024x128xf32>
    %gt3A_263 = arith.cmpf ogt, %slice3A_258, %select_n3A_246 : vector<1024x128xf32>
    %gt3A_264 = arith.cmpf ogt, %slice3A_258, %select_n3A_249 : vector<1024x128xf32>
    %gt3A_265 = arith.cmpf ogt, %slice3A_258, %select_n3A_254 : vector<1024x128xf32>
    %select_n3A_266 = arith.select %gt3A_263, %slice3A_258, %select_n3A_246 : vector<1024x128xi1>, vector<1024x128xf32>
    %select_n3A_267 = arith.select %gt3A_263, %add3A_262, %select_n3A_247 : vector<1024x128xi1>, vector<1024x128xf32>
    %select_n3A_268 = arith.select %gt3A_264, %slice3A_258, %select_n3A_249 : vector<1024x128xi1>, vector<1024x128xf32>
    %select_n3A_269 = arith.select %gt3A_263, %select_n3A_246, %select_n3A_268 : vector<1024x128xi1>, vector<1024x128xf32>
    %select_n3A_270 = arith.select %gt3A_264, %add3A_262, %select_n3A_251 : vector<1024x128xi1>, vector<1024x128xf32>
    %select_n3A_271 = arith.select %gt3A_263, %select_n3A_247, %select_n3A_270 : vector<1024x128xi1>, vector<1024x128xf32>
    %or3A_272 = arith.ori %gt3A_263, %gt3A_264 : vector<1024x128xi1>
    %select_n3A_273 = arith.select %gt3A_265, %slice3A_258, %select_n3A_254 : vector<1024x128xi1>, vector<1024x128xf32>
    %select_n3A_274 = arith.select %or3A_272, %select_n3A_249, %select_n3A_273 : vector<1024x128xi1>, vector<1024x128xf32>
    %or3A_275 = arith.ori %gt3A_263, %gt3A_264 : vector<1024x128xi1>
    %select_n3A_276 = arith.select %gt3A_265, %add3A_262, %select_n3A_257 : vector<1024x128xi1>, vector<1024x128xf32>
    %select_n3A_277 = arith.select %or3A_275, %select_n3A_251, %select_n3A_276 : vector<1024x128xi1>, vector<1024x128xf32>
    %slice3A_278 = vector.extract_strided_slice %dot_general3A_11 {offsets = [0, 1664], sizes = [1024, 128], strides = [1, 1]} : vector<1024x2048xf32> to vector<1024x128xf32>
    %add3A_279 = arith.constant 1.664000e+03 : f32
    %add3A_280 = arith.addf %convert_element_type3A_20, %add3A_279 : f32
    %add3A_281 = vector.broadcast %add3A_280 : f32 to vector<1024x128xf32>
    %add3A_282 = arith.addf %convert_element_type3A_13, %add3A_281 : vector<1024x128xf32>
    %gt3A_283 = arith.cmpf ogt, %slice3A_278, %select_n3A_266 : vector<1024x128xf32>
    %gt3A_284 = arith.cmpf ogt, %slice3A_278, %select_n3A_269 : vector<1024x128xf32>
    %gt3A_285 = arith.cmpf ogt, %slice3A_278, %select_n3A_274 : vector<1024x128xf32>
    %select_n3A_286 = arith.select %gt3A_283, %slice3A_278, %select_n3A_266 : vector<1024x128xi1>, vector<1024x128xf32>
    %select_n3A_287 = arith.select %gt3A_283, %add3A_282, %select_n3A_267 : vector<1024x128xi1>, vector<1024x128xf32>
    %select_n3A_288 = arith.select %gt3A_284, %slice3A_278, %select_n3A_269 : vector<1024x128xi1>, vector<1024x128xf32>
    %select_n3A_289 = arith.select %gt3A_283, %select_n3A_266, %select_n3A_288 : vector<1024x128xi1>, vector<1024x128xf32>
    %select_n3A_290 = arith.select %gt3A_284, %add3A_282, %select_n3A_271 : vector<1024x128xi1>, vector<1024x128xf32>
    %select_n3A_291 = arith.select %gt3A_283, %select_n3A_267, %select_n3A_290 : vector<1024x128xi1>, vector<1024x128xf32>
    %or3A_292 = arith.ori %gt3A_283, %gt3A_284 : vector<1024x128xi1>
    %select_n3A_293 = arith.select %gt3A_285, %slice3A_278, %select_n3A_274 : vector<1024x128xi1>, vector<1024x128xf32>
    %select_n3A_294 = arith.select %or3A_292, %select_n3A_269, %select_n3A_293 : vector<1024x128xi1>, vector<1024x128xf32>
    %or3A_295 = arith.ori %gt3A_283, %gt3A_284 : vector<1024x128xi1>
    %select_n3A_296 = arith.select %gt3A_285, %add3A_282, %select_n3A_277 : vector<1024x128xi1>, vector<1024x128xf32>
    %select_n3A_297 = arith.select %or3A_295, %select_n3A_271, %select_n3A_296 : vector<1024x128xi1>, vector<1024x128xf32>
    %slice3A_298 = vector.extract_strided_slice %dot_general3A_11 {offsets = [0, 1792], sizes = [1024, 128], strides = [1, 1]} : vector<1024x2048xf32> to vector<1024x128xf32>
    %add3A_299 = arith.constant 1.792000e+03 : f32
    %add3A_300 = arith.addf %convert_element_type3A_20, %add3A_299 : f32
    %add3A_301 = vector.broadcast %add3A_300 : f32 to vector<1024x128xf32>
    %add3A_302 = arith.addf %convert_element_type3A_13, %add3A_301 : vector<1024x128xf32>
    %gt3A_303 = arith.cmpf ogt, %slice3A_298, %select_n3A_286 : vector<1024x128xf32>
    %gt3A_304 = arith.cmpf ogt, %slice3A_298, %select_n3A_289 : vector<1024x128xf32>
    %gt3A_305 = arith.cmpf ogt, %slice3A_298, %select_n3A_294 : vector<1024x128xf32>
    %select_n3A_306 = arith.select %gt3A_303, %slice3A_298, %select_n3A_286 : vector<1024x128xi1>, vector<1024x128xf32>
    %select_n3A_307 = arith.select %gt3A_303, %add3A_302, %select_n3A_287 : vector<1024x128xi1>, vector<1024x128xf32>
    %select_n3A_308 = arith.select %gt3A_304, %slice3A_298, %select_n3A_289 : vector<1024x128xi1>, vector<1024x128xf32>
    %select_n3A_309 = arith.select %gt3A_303, %select_n3A_286, %select_n3A_308 : vector<1024x128xi1>, vector<1024x128xf32>
    %select_n3A_310 = arith.select %gt3A_304, %add3A_302, %select_n3A_291 : vector<1024x128xi1>, vector<1024x128xf32>
    %select_n3A_311 = arith.select %gt3A_303, %select_n3A_287, %select_n3A_310 : vector<1024x128xi1>, vector<1024x128xf32>
    %or3A_312 = arith.ori %gt3A_303, %gt3A_304 : vector<1024x128xi1>
    %select_n3A_313 = arith.select %gt3A_305, %slice3A_298, %select_n3A_294 : vector<1024x128xi1>, vector<1024x128xf32>
    %select_n3A_314 = arith.select %or3A_312, %select_n3A_289, %select_n3A_313 : vector<1024x128xi1>, vector<1024x128xf32>
    %or3A_315 = arith.ori %gt3A_303, %gt3A_304 : vector<1024x128xi1>
    %select_n3A_316 = arith.select %gt3A_305, %add3A_302, %select_n3A_297 : vector<1024x128xi1>, vector<1024x128xf32>
    %select_n3A_317 = arith.select %or3A_315, %select_n3A_291, %select_n3A_316 : vector<1024x128xi1>, vector<1024x128xf32>
    %slice3A_318 = vector.extract_strided_slice %dot_general3A_11 {offsets = [0, 1920], sizes = [1024, 128], strides = [1, 1]} : vector<1024x2048xf32> to vector<1024x128xf32>
    %add3A_319 = arith.constant 1.920000e+03 : f32
    %add3A_320 = arith.addf %convert_element_type3A_20, %add3A_319 : f32
    %add3A_321 = vector.broadcast %add3A_320 : f32 to vector<1024x128xf32>
    %add3A_322 = arith.addf %convert_element_type3A_13, %add3A_321 : vector<1024x128xf32>
    %gt3A_323 = arith.cmpf ogt, %slice3A_318, %select_n3A_306 : vector<1024x128xf32>
    %gt3A_324 = arith.cmpf ogt, %slice3A_318, %select_n3A_309 : vector<1024x128xf32>
    %gt3A_325 = arith.cmpf ogt, %slice3A_318, %select_n3A_314 : vector<1024x128xf32>
    %select_n3A_326 = arith.select %gt3A_323, %slice3A_318, %select_n3A_306 : vector<1024x128xi1>, vector<1024x128xf32>
    %select_n3A_327 = arith.select %gt3A_323, %add3A_322, %select_n3A_307 : vector<1024x128xi1>, vector<1024x128xf32>
    %select_n3A_328 = arith.select %gt3A_324, %slice3A_318, %select_n3A_309 : vector<1024x128xi1>, vector<1024x128xf32>
    %select_n3A_329 = arith.select %gt3A_323, %select_n3A_306, %select_n3A_328 : vector<1024x128xi1>, vector<1024x128xf32>
    %select_n3A_330 = arith.select %gt3A_324, %add3A_322, %select_n3A_311 : vector<1024x128xi1>, vector<1024x128xf32>
    %select_n3A_331 = arith.select %gt3A_323, %select_n3A_307, %select_n3A_330 : vector<1024x128xi1>, vector<1024x128xf32>
    %or3A_332 = arith.ori %gt3A_323, %gt3A_324 : vector<1024x128xi1>
    %select_n3A_333 = arith.select %gt3A_325, %slice3A_318, %select_n3A_314 : vector<1024x128xi1>, vector<1024x128xf32>
    %select_n3A_334 = arith.select %or3A_332, %select_n3A_309, %select_n3A_333 : vector<1024x128xi1>, vector<1024x128xf32>
    %or3A_335 = arith.ori %gt3A_323, %gt3A_324 : vector<1024x128xi1>
    %select_n3A_336 = arith.select %gt3A_325, %add3A_322, %select_n3A_317 : vector<1024x128xi1>, vector<1024x128xf32>
    %select_n3A_337 = arith.select %or3A_335, %select_n3A_311, %select_n3A_336 : vector<1024x128xi1>, vector<1024x128xf32>
    %get3A_338 = arith.constant 0 : index
    %get3A_339 = arith.constant 0 : index
    %get3A_340 = vector.load %arg3[%get3A_338, %get3A_339] : memref<1024x8xf32, #tpu.memory_space<vmem>>, vector<1024x8xf32>
    %get3A_341 = arith.constant 0 : index
    %get3A_342 = arith.constant 0 : index
    %get3A_343 = vector.load %arg5[%get3A_341, %get3A_342] : memref<1024x8xf32, #tpu.memory_space<vmem>>, vector<1024x8xf32>
    %reduce_max3A = arith.constant dense<0xFF800000> : vector<1024xf32>
    %reduce_max3A_344 = vector.multi_reduction <maximumf>, %select_n3A_326, %reduce_max3A [1] : vector<1024x128xf32> to vector<1024xf32>
    %broadcast_in_dim3A_345 = vector.shape_cast %reduce_max3A_344 : vector<1024xf32> to vector<1024x1xf32>
    %eq3A_346 = vector.broadcast %broadcast_in_dim3A_345 : vector<1024x1xf32> to vector<1024x128xf32>
    %eq3A_347 = arith.cmpf oeq, %select_n3A_326, %eq3A_346 : vector<1024x128xf32>
    %jit3A_348 = arith.constant 3.000000e+38 : f32
    %broadcast_in_dim3A_349 = vector.broadcast %jit3A_348 : f32 to vector<1024x128xf32>
    %select_n3A_350 = arith.select %eq3A_347, %select_n3A_327, %broadcast_in_dim3A_349 : vector<1024x128xi1>, vector<1024x128xf32>
    %reduce_min3A = arith.constant dense<0x7F800000> : vector<1024xf32>
    %reduce_min3A_351 = vector.multi_reduction <minimumf>, %select_n3A_350, %reduce_min3A [1] : vector<1024x128xf32> to vector<1024xf32>
    %broadcast_in_dim3A_352 = vector.shape_cast %reduce_min3A_351 : vector<1024xf32> to vector<1024x1xf32>
    %eq3A_353 = vector.broadcast %broadcast_in_dim3A_352 : vector<1024x1xf32> to vector<1024x128xf32>
    %eq3A_354 = arith.cmpf oeq, %select_n3A_327, %eq3A_353 : vector<1024x128xf32>
    %select_n3A_355 = arith.select %eq3A_354, %select_n3A_329, %select_n3A_326 : vector<1024x128xi1>, vector<1024x128xf32>
    %select_n3A_356 = arith.select %eq3A_354, %select_n3A_331, %select_n3A_327 : vector<1024x128xi1>, vector<1024x128xf32>
    %select_n3A_357 = arith.select %eq3A_354, %select_n3A_334, %select_n3A_329 : vector<1024x128xi1>, vector<1024x128xf32>
    %select_n3A_358 = arith.select %eq3A_354, %select_n3A_337, %select_n3A_331 : vector<1024x128xi1>, vector<1024x128xf32>
    %jit3A_359 = arith.constant 0xFF800000 : f32
    %broadcast_in_dim3A_360 = vector.broadcast %jit3A_359 : f32 to vector<1024x128xf32>
    %select_n3A_361 = arith.select %eq3A_354, %broadcast_in_dim3A_360, %select_n3A_334 : vector<1024x128xi1>, vector<1024x128xf32>
    %ge3A = vector.broadcast %broadcast_in_dim3A_345 : vector<1024x1xf32> to vector<1024x8xf32>
    %ge3A_362 = arith.cmpf oge, %get3A_340, %ge3A : vector<1024x8xf32>
    %broadcast_in_dim3A_363 = arith.constant 0x7F800000 : f32
    %broadcast_in_dim3A_364 = vector.broadcast %broadcast_in_dim3A_363 : f32 to vector<1024x1xf32>
    %slice3A_365 = vector.extract_strided_slice %get3A_340 {offsets = [0, 0], sizes = [1024, 7], strides = [1, 1]} : vector<1024x8xf32> to vector<1024x7xf32>
    %concatenate3A = tpu.concatenate %broadcast_in_dim3A_364, %slice3A_365 in 1 : vector<1024x1xf32>, vector<1024x7xf32> -> vector<1024x8xf32>
    %ge3A_366 = vector.broadcast %broadcast_in_dim3A_345 : vector<1024x1xf32> to vector<1024x8xf32>
    %ge3A_367 = arith.cmpf oge, %concatenate3A, %ge3A_366 : vector<1024x8xf32>
    %broadcast_in_dim3A_368 = arith.constant 0.000000e+00 : f32
    %broadcast_in_dim3A_369 = vector.broadcast %broadcast_in_dim3A_368 : f32 to vector<1024x1xf32>
    %slice3A_370 = vector.extract_strided_slice %get3A_343 {offsets = [0, 0], sizes = [1024, 7], strides = [1, 1]} : vector<1024x8xf32> to vector<1024x7xf32>
    %concatenate3A_371 = tpu.concatenate %broadcast_in_dim3A_369, %slice3A_370 in 1 : vector<1024x1xf32>, vector<1024x7xf32> -> vector<1024x8xf32>
    %broadcast_in_dim3A_372 = vector.shape_cast %broadcast_in_dim3A_345 : vector<1024x1xf32> to vector<1024x1xf32>
    %broadcast_in_dim3A_373 = vector.broadcast %broadcast_in_dim3A_372 : vector<1024x1xf32> to vector<1024x8xf32>
    %broadcast_in_dim3A_374 = vector.shape_cast %broadcast_in_dim3A_352 : vector<1024x1xf32> to vector<1024x1xf32>
    %broadcast_in_dim3A_375 = vector.broadcast %broadcast_in_dim3A_374 : vector<1024x1xf32> to vector<1024x8xf32>
    %select_n3A_376 = arith.select %ge3A_367, %broadcast_in_dim3A_373, %concatenate3A : vector<1024x8xi1>, vector<1024x8xf32>
    %select_n3A_377 = arith.select %ge3A_362, %get3A_340, %select_n3A_376 : vector<1024x8xi1>, vector<1024x8xf32>
    %select_n3A_378 = arith.select %ge3A_367, %broadcast_in_dim3A_375, %concatenate3A_371 : vector<1024x8xi1>, vector<1024x8xf32>
    %select_n3A_379 = arith.select %ge3A_362, %get3A_343, %select_n3A_378 : vector<1024x8xi1>, vector<1024x8xf32>
    %reduce_max3A_380 = arith.constant dense<0xFF800000> : vector<1024xf32>
    %reduce_max3A_381 = vector.multi_reduction <maximumf>, %select_n3A_355, %reduce_max3A_380 [1] : vector<1024x128xf32> to vector<1024xf32>
    %broadcast_in_dim3A_382 = vector.shape_cast %reduce_max3A_381 : vector<1024xf32> to vector<1024x1xf32>
    %eq3A_383 = vector.broadcast %broadcast_in_dim3A_382 : vector<1024x1xf32> to vector<1024x128xf32>
    %eq3A_384 = arith.cmpf oeq, %select_n3A_355, %eq3A_383 : vector<1024x128xf32>
    %jit3A_385 = arith.constant 3.000000e+38 : f32
    %broadcast_in_dim3A_386 = vector.broadcast %jit3A_385 : f32 to vector<1024x128xf32>
    %select_n3A_387 = arith.select %eq3A_384, %select_n3A_356, %broadcast_in_dim3A_386 : vector<1024x128xi1>, vector<1024x128xf32>
    %reduce_min3A_388 = arith.constant dense<0x7F800000> : vector<1024xf32>
    %reduce_min3A_389 = vector.multi_reduction <minimumf>, %select_n3A_387, %reduce_min3A_388 [1] : vector<1024x128xf32> to vector<1024xf32>
    %broadcast_in_dim3A_390 = vector.shape_cast %reduce_min3A_389 : vector<1024xf32> to vector<1024x1xf32>
    %eq3A_391 = vector.broadcast %broadcast_in_dim3A_390 : vector<1024x1xf32> to vector<1024x128xf32>
    %eq3A_392 = arith.cmpf oeq, %select_n3A_356, %eq3A_391 : vector<1024x128xf32>
    %select_n3A_393 = arith.select %eq3A_392, %select_n3A_357, %select_n3A_355 : vector<1024x128xi1>, vector<1024x128xf32>
    %select_n3A_394 = arith.select %eq3A_392, %select_n3A_358, %select_n3A_356 : vector<1024x128xi1>, vector<1024x128xf32>
    %select_n3A_395 = arith.select %eq3A_392, %select_n3A_361, %select_n3A_357 : vector<1024x128xi1>, vector<1024x128xf32>
    %select_n3A_396 = arith.select %eq3A_392, %select_n3A_337, %select_n3A_358 : vector<1024x128xi1>, vector<1024x128xf32>
    %jit3A_397 = arith.constant 0xFF800000 : f32
    %broadcast_in_dim3A_398 = vector.broadcast %jit3A_397 : f32 to vector<1024x128xf32>
    %select_n3A_399 = arith.select %eq3A_392, %broadcast_in_dim3A_398, %select_n3A_361 : vector<1024x128xi1>, vector<1024x128xf32>
    %ge3A_400 = vector.broadcast %broadcast_in_dim3A_382 : vector<1024x1xf32> to vector<1024x8xf32>
    %ge3A_401 = arith.cmpf oge, %select_n3A_377, %ge3A_400 : vector<1024x8xf32>
    %broadcast_in_dim3A_402 = arith.constant 0x7F800000 : f32
    %broadcast_in_dim3A_403 = vector.broadcast %broadcast_in_dim3A_402 : f32 to vector<1024x1xf32>
    %slice3A_404 = vector.extract_strided_slice %select_n3A_377 {offsets = [0, 0], sizes = [1024, 7], strides = [1, 1]} : vector<1024x8xf32> to vector<1024x7xf32>
    %concatenate3A_405 = tpu.concatenate %broadcast_in_dim3A_403, %slice3A_404 in 1 : vector<1024x1xf32>, vector<1024x7xf32> -> vector<1024x8xf32>
    %ge3A_406 = vector.broadcast %broadcast_in_dim3A_382 : vector<1024x1xf32> to vector<1024x8xf32>
    %ge3A_407 = arith.cmpf oge, %concatenate3A_405, %ge3A_406 : vector<1024x8xf32>
    %broadcast_in_dim3A_408 = arith.constant 0.000000e+00 : f32
    %broadcast_in_dim3A_409 = vector.broadcast %broadcast_in_dim3A_408 : f32 to vector<1024x1xf32>
    %slice3A_410 = vector.extract_strided_slice %select_n3A_379 {offsets = [0, 0], sizes = [1024, 7], strides = [1, 1]} : vector<1024x8xf32> to vector<1024x7xf32>
    %concatenate3A_411 = tpu.concatenate %broadcast_in_dim3A_409, %slice3A_410 in 1 : vector<1024x1xf32>, vector<1024x7xf32> -> vector<1024x8xf32>
    %broadcast_in_dim3A_412 = vector.shape_cast %broadcast_in_dim3A_382 : vector<1024x1xf32> to vector<1024x1xf32>
    %broadcast_in_dim3A_413 = vector.broadcast %broadcast_in_dim3A_412 : vector<1024x1xf32> to vector<1024x8xf32>
    %broadcast_in_dim3A_414 = vector.shape_cast %broadcast_in_dim3A_390 : vector<1024x1xf32> to vector<1024x1xf32>
    %broadcast_in_dim3A_415 = vector.broadcast %broadcast_in_dim3A_414 : vector<1024x1xf32> to vector<1024x8xf32>
    %select_n3A_416 = arith.select %ge3A_407, %broadcast_in_dim3A_413, %concatenate3A_405 : vector<1024x8xi1>, vector<1024x8xf32>
    %select_n3A_417 = arith.select %ge3A_401, %select_n3A_377, %select_n3A_416 : vector<1024x8xi1>, vector<1024x8xf32>
    %select_n3A_418 = arith.select %ge3A_407, %broadcast_in_dim3A_415, %concatenate3A_411 : vector<1024x8xi1>, vector<1024x8xf32>
    %select_n3A_419 = arith.select %ge3A_401, %select_n3A_379, %select_n3A_418 : vector<1024x8xi1>, vector<1024x8xf32>
    %reduce_max3A_420 = arith.constant dense<0xFF800000> : vector<1024xf32>
    %reduce_max3A_421 = vector.multi_reduction <maximumf>, %select_n3A_393, %reduce_max3A_420 [1] : vector<1024x128xf32> to vector<1024xf32>
    %broadcast_in_dim3A_422 = vector.shape_cast %reduce_max3A_421 : vector<1024xf32> to vector<1024x1xf32>
    %eq3A_423 = vector.broadcast %broadcast_in_dim3A_422 : vector<1024x1xf32> to vector<1024x128xf32>
    %eq3A_424 = arith.cmpf oeq, %select_n3A_393, %eq3A_423 : vector<1024x128xf32>
    %jit3A_425 = arith.constant 3.000000e+38 : f32
    %broadcast_in_dim3A_426 = vector.broadcast %jit3A_425 : f32 to vector<1024x128xf32>
    %select_n3A_427 = arith.select %eq3A_424, %select_n3A_394, %broadcast_in_dim3A_426 : vector<1024x128xi1>, vector<1024x128xf32>
    %reduce_min3A_428 = arith.constant dense<0x7F800000> : vector<1024xf32>
    %reduce_min3A_429 = vector.multi_reduction <minimumf>, %select_n3A_427, %reduce_min3A_428 [1] : vector<1024x128xf32> to vector<1024xf32>
    %broadcast_in_dim3A_430 = vector.shape_cast %reduce_min3A_429 : vector<1024xf32> to vector<1024x1xf32>
    %eq3A_431 = vector.broadcast %broadcast_in_dim3A_430 : vector<1024x1xf32> to vector<1024x128xf32>
    %eq3A_432 = arith.cmpf oeq, %select_n3A_394, %eq3A_431 : vector<1024x128xf32>
    %select_n3A_433 = arith.select %eq3A_432, %select_n3A_395, %select_n3A_393 : vector<1024x128xi1>, vector<1024x128xf32>
    %select_n3A_434 = arith.select %eq3A_432, %select_n3A_396, %select_n3A_394 : vector<1024x128xi1>, vector<1024x128xf32>
    %select_n3A_435 = arith.select %eq3A_432, %select_n3A_399, %select_n3A_395 : vector<1024x128xi1>, vector<1024x128xf32>
    %select_n3A_436 = arith.select %eq3A_432, %select_n3A_337, %select_n3A_396 : vector<1024x128xi1>, vector<1024x128xf32>
    %jit3A_437 = arith.constant 0xFF800000 : f32
    %broadcast_in_dim3A_438 = vector.broadcast %jit3A_437 : f32 to vector<1024x128xf32>
    %select_n3A_439 = arith.select %eq3A_432, %broadcast_in_dim3A_438, %select_n3A_399 : vector<1024x128xi1>, vector<1024x128xf32>
    %ge3A_440 = vector.broadcast %broadcast_in_dim3A_422 : vector<1024x1xf32> to vector<1024x8xf32>
    %ge3A_441 = arith.cmpf oge, %select_n3A_417, %ge3A_440 : vector<1024x8xf32>
    %broadcast_in_dim3A_442 = arith.constant 0x7F800000 : f32
    %broadcast_in_dim3A_443 = vector.broadcast %broadcast_in_dim3A_442 : f32 to vector<1024x1xf32>
    %slice3A_444 = vector.extract_strided_slice %select_n3A_417 {offsets = [0, 0], sizes = [1024, 7], strides = [1, 1]} : vector<1024x8xf32> to vector<1024x7xf32>
    %concatenate3A_445 = tpu.concatenate %broadcast_in_dim3A_443, %slice3A_444 in 1 : vector<1024x1xf32>, vector<1024x7xf32> -> vector<1024x8xf32>
    %ge3A_446 = vector.broadcast %broadcast_in_dim3A_422 : vector<1024x1xf32> to vector<1024x8xf32>
    %ge3A_447 = arith.cmpf oge, %concatenate3A_445, %ge3A_446 : vector<1024x8xf32>
    %broadcast_in_dim3A_448 = arith.constant 0.000000e+00 : f32
    %broadcast_in_dim3A_449 = vector.broadcast %broadcast_in_dim3A_448 : f32 to vector<1024x1xf32>
    %slice3A_450 = vector.extract_strided_slice %select_n3A_419 {offsets = [0, 0], sizes = [1024, 7], strides = [1, 1]} : vector<1024x8xf32> to vector<1024x7xf32>
    %concatenate3A_451 = tpu.concatenate %broadcast_in_dim3A_449, %slice3A_450 in 1 : vector<1024x1xf32>, vector<1024x7xf32> -> vector<1024x8xf32>
    %broadcast_in_dim3A_452 = vector.shape_cast %broadcast_in_dim3A_422 : vector<1024x1xf32> to vector<1024x1xf32>
    %broadcast_in_dim3A_453 = vector.broadcast %broadcast_in_dim3A_452 : vector<1024x1xf32> to vector<1024x8xf32>
    %broadcast_in_dim3A_454 = vector.shape_cast %broadcast_in_dim3A_430 : vector<1024x1xf32> to vector<1024x1xf32>
    %broadcast_in_dim3A_455 = vector.broadcast %broadcast_in_dim3A_454 : vector<1024x1xf32> to vector<1024x8xf32>
    %select_n3A_456 = arith.select %ge3A_447, %broadcast_in_dim3A_453, %concatenate3A_445 : vector<1024x8xi1>, vector<1024x8xf32>
    %select_n3A_457 = arith.select %ge3A_441, %select_n3A_417, %select_n3A_456 : vector<1024x8xi1>, vector<1024x8xf32>
    %select_n3A_458 = arith.select %ge3A_447, %broadcast_in_dim3A_455, %concatenate3A_451 : vector<1024x8xi1>, vector<1024x8xf32>
    %select_n3A_459 = arith.select %ge3A_441, %select_n3A_419, %select_n3A_458 : vector<1024x8xi1>, vector<1024x8xf32>
    %reduce_max3A_460 = arith.constant dense<0xFF800000> : vector<1024xf32>
    %reduce_max3A_461 = vector.multi_reduction <maximumf>, %select_n3A_433, %reduce_max3A_460 [1] : vector<1024x128xf32> to vector<1024xf32>
    %broadcast_in_dim3A_462 = vector.shape_cast %reduce_max3A_461 : vector<1024xf32> to vector<1024x1xf32>
    %eq3A_463 = vector.broadcast %broadcast_in_dim3A_462 : vector<1024x1xf32> to vector<1024x128xf32>
    %eq3A_464 = arith.cmpf oeq, %select_n3A_433, %eq3A_463 : vector<1024x128xf32>
    %jit3A_465 = arith.constant 3.000000e+38 : f32
    %broadcast_in_dim3A_466 = vector.broadcast %jit3A_465 : f32 to vector<1024x128xf32>
    %select_n3A_467 = arith.select %eq3A_464, %select_n3A_434, %broadcast_in_dim3A_466 : vector<1024x128xi1>, vector<1024x128xf32>
    %reduce_min3A_468 = arith.constant dense<0x7F800000> : vector<1024xf32>
    %reduce_min3A_469 = vector.multi_reduction <minimumf>, %select_n3A_467, %reduce_min3A_468 [1] : vector<1024x128xf32> to vector<1024xf32>
    %broadcast_in_dim3A_470 = vector.shape_cast %reduce_min3A_469 : vector<1024xf32> to vector<1024x1xf32>
    %eq3A_471 = vector.broadcast %broadcast_in_dim3A_470 : vector<1024x1xf32> to vector<1024x128xf32>
    %eq3A_472 = arith.cmpf oeq, %select_n3A_434, %eq3A_471 : vector<1024x128xf32>
    %select_n3A_473 = arith.select %eq3A_472, %select_n3A_435, %select_n3A_433 : vector<1024x128xi1>, vector<1024x128xf32>
    %select_n3A_474 = arith.select %eq3A_472, %select_n3A_436, %select_n3A_434 : vector<1024x128xi1>, vector<1024x128xf32>
    %select_n3A_475 = arith.select %eq3A_472, %select_n3A_439, %select_n3A_435 : vector<1024x128xi1>, vector<1024x128xf32>
    %select_n3A_476 = arith.select %eq3A_472, %select_n3A_337, %select_n3A_436 : vector<1024x128xi1>, vector<1024x128xf32>
    %jit3A_477 = arith.constant 0xFF800000 : f32
    %broadcast_in_dim3A_478 = vector.broadcast %jit3A_477 : f32 to vector<1024x128xf32>
    %select_n3A_479 = arith.select %eq3A_472, %broadcast_in_dim3A_478, %select_n3A_439 : vector<1024x128xi1>, vector<1024x128xf32>
    %ge3A_480 = vector.broadcast %broadcast_in_dim3A_462 : vector<1024x1xf32> to vector<1024x8xf32>
    %ge3A_481 = arith.cmpf oge, %select_n3A_457, %ge3A_480 : vector<1024x8xf32>
    %broadcast_in_dim3A_482 = arith.constant 0x7F800000 : f32
    %broadcast_in_dim3A_483 = vector.broadcast %broadcast_in_dim3A_482 : f32 to vector<1024x1xf32>
    %slice3A_484 = vector.extract_strided_slice %select_n3A_457 {offsets = [0, 0], sizes = [1024, 7], strides = [1, 1]} : vector<1024x8xf32> to vector<1024x7xf32>
    %concatenate3A_485 = tpu.concatenate %broadcast_in_dim3A_483, %slice3A_484 in 1 : vector<1024x1xf32>, vector<1024x7xf32> -> vector<1024x8xf32>
    %ge3A_486 = vector.broadcast %broadcast_in_dim3A_462 : vector<1024x1xf32> to vector<1024x8xf32>
    %ge3A_487 = arith.cmpf oge, %concatenate3A_485, %ge3A_486 : vector<1024x8xf32>
    %broadcast_in_dim3A_488 = arith.constant 0.000000e+00 : f32
    %broadcast_in_dim3A_489 = vector.broadcast %broadcast_in_dim3A_488 : f32 to vector<1024x1xf32>
    %slice3A_490 = vector.extract_strided_slice %select_n3A_459 {offsets = [0, 0], sizes = [1024, 7], strides = [1, 1]} : vector<1024x8xf32> to vector<1024x7xf32>
    %concatenate3A_491 = tpu.concatenate %broadcast_in_dim3A_489, %slice3A_490 in 1 : vector<1024x1xf32>, vector<1024x7xf32> -> vector<1024x8xf32>
    %broadcast_in_dim3A_492 = vector.shape_cast %broadcast_in_dim3A_462 : vector<1024x1xf32> to vector<1024x1xf32>
    %broadcast_in_dim3A_493 = vector.broadcast %broadcast_in_dim3A_492 : vector<1024x1xf32> to vector<1024x8xf32>
    %broadcast_in_dim3A_494 = vector.shape_cast %broadcast_in_dim3A_470 : vector<1024x1xf32> to vector<1024x1xf32>
    %broadcast_in_dim3A_495 = vector.broadcast %broadcast_in_dim3A_494 : vector<1024x1xf32> to vector<1024x8xf32>
    %select_n3A_496 = arith.select %ge3A_487, %broadcast_in_dim3A_493, %concatenate3A_485 : vector<1024x8xi1>, vector<1024x8xf32>
    %select_n3A_497 = arith.select %ge3A_481, %select_n3A_457, %select_n3A_496 : vector<1024x8xi1>, vector<1024x8xf32>
    %select_n3A_498 = arith.select %ge3A_487, %broadcast_in_dim3A_495, %concatenate3A_491 : vector<1024x8xi1>, vector<1024x8xf32>
    %select_n3A_499 = arith.select %ge3A_481, %select_n3A_459, %select_n3A_498 : vector<1024x8xi1>, vector<1024x8xf32>
    %reduce_max3A_500 = arith.constant dense<0xFF800000> : vector<1024xf32>
    %reduce_max3A_501 = vector.multi_reduction <maximumf>, %select_n3A_473, %reduce_max3A_500 [1] : vector<1024x128xf32> to vector<1024xf32>
    %broadcast_in_dim3A_502 = vector.shape_cast %reduce_max3A_501 : vector<1024xf32> to vector<1024x1xf32>
    %eq3A_503 = vector.broadcast %broadcast_in_dim3A_502 : vector<1024x1xf32> to vector<1024x128xf32>
    %eq3A_504 = arith.cmpf oeq, %select_n3A_473, %eq3A_503 : vector<1024x128xf32>
    %jit3A_505 = arith.constant 3.000000e+38 : f32
    %broadcast_in_dim3A_506 = vector.broadcast %jit3A_505 : f32 to vector<1024x128xf32>
    %select_n3A_507 = arith.select %eq3A_504, %select_n3A_474, %broadcast_in_dim3A_506 : vector<1024x128xi1>, vector<1024x128xf32>
    %reduce_min3A_508 = arith.constant dense<0x7F800000> : vector<1024xf32>
    %reduce_min3A_509 = vector.multi_reduction <minimumf>, %select_n3A_507, %reduce_min3A_508 [1] : vector<1024x128xf32> to vector<1024xf32>
    %broadcast_in_dim3A_510 = vector.shape_cast %reduce_min3A_509 : vector<1024xf32> to vector<1024x1xf32>
    %eq3A_511 = vector.broadcast %broadcast_in_dim3A_510 : vector<1024x1xf32> to vector<1024x128xf32>
    %eq3A_512 = arith.cmpf oeq, %select_n3A_474, %eq3A_511 : vector<1024x128xf32>
    %select_n3A_513 = arith.select %eq3A_512, %select_n3A_475, %select_n3A_473 : vector<1024x128xi1>, vector<1024x128xf32>
    %select_n3A_514 = arith.select %eq3A_512, %select_n3A_476, %select_n3A_474 : vector<1024x128xi1>, vector<1024x128xf32>
    %select_n3A_515 = arith.select %eq3A_512, %select_n3A_479, %select_n3A_475 : vector<1024x128xi1>, vector<1024x128xf32>
    %select_n3A_516 = arith.select %eq3A_512, %select_n3A_337, %select_n3A_476 : vector<1024x128xi1>, vector<1024x128xf32>
    %jit3A_517 = arith.constant 0xFF800000 : f32
    %broadcast_in_dim3A_518 = vector.broadcast %jit3A_517 : f32 to vector<1024x128xf32>
    %select_n3A_519 = arith.select %eq3A_512, %broadcast_in_dim3A_518, %select_n3A_479 : vector<1024x128xi1>, vector<1024x128xf32>
    %ge3A_520 = vector.broadcast %broadcast_in_dim3A_502 : vector<1024x1xf32> to vector<1024x8xf32>
    %ge3A_521 = arith.cmpf oge, %select_n3A_497, %ge3A_520 : vector<1024x8xf32>
    %broadcast_in_dim3A_522 = arith.constant 0x7F800000 : f32
    %broadcast_in_dim3A_523 = vector.broadcast %broadcast_in_dim3A_522 : f32 to vector<1024x1xf32>
    %slice3A_524 = vector.extract_strided_slice %select_n3A_497 {offsets = [0, 0], sizes = [1024, 7], strides = [1, 1]} : vector<1024x8xf32> to vector<1024x7xf32>
    %concatenate3A_525 = tpu.concatenate %broadcast_in_dim3A_523, %slice3A_524 in 1 : vector<1024x1xf32>, vector<1024x7xf32> -> vector<1024x8xf32>
    %ge3A_526 = vector.broadcast %broadcast_in_dim3A_502 : vector<1024x1xf32> to vector<1024x8xf32>
    %ge3A_527 = arith.cmpf oge, %concatenate3A_525, %ge3A_526 : vector<1024x8xf32>
    %broadcast_in_dim3A_528 = arith.constant 0.000000e+00 : f32
    %broadcast_in_dim3A_529 = vector.broadcast %broadcast_in_dim3A_528 : f32 to vector<1024x1xf32>
    %slice3A_530 = vector.extract_strided_slice %select_n3A_499 {offsets = [0, 0], sizes = [1024, 7], strides = [1, 1]} : vector<1024x8xf32> to vector<1024x7xf32>
    %concatenate3A_531 = tpu.concatenate %broadcast_in_dim3A_529, %slice3A_530 in 1 : vector<1024x1xf32>, vector<1024x7xf32> -> vector<1024x8xf32>
    %broadcast_in_dim3A_532 = vector.shape_cast %broadcast_in_dim3A_502 : vector<1024x1xf32> to vector<1024x1xf32>
    %broadcast_in_dim3A_533 = vector.broadcast %broadcast_in_dim3A_532 : vector<1024x1xf32> to vector<1024x8xf32>
    %broadcast_in_dim3A_534 = vector.shape_cast %broadcast_in_dim3A_510 : vector<1024x1xf32> to vector<1024x1xf32>
    %broadcast_in_dim3A_535 = vector.broadcast %broadcast_in_dim3A_534 : vector<1024x1xf32> to vector<1024x8xf32>
    %select_n3A_536 = arith.select %ge3A_527, %broadcast_in_dim3A_533, %concatenate3A_525 : vector<1024x8xi1>, vector<1024x8xf32>
    %select_n3A_537 = arith.select %ge3A_521, %select_n3A_497, %select_n3A_536 : vector<1024x8xi1>, vector<1024x8xf32>
    %select_n3A_538 = arith.select %ge3A_527, %broadcast_in_dim3A_535, %concatenate3A_531 : vector<1024x8xi1>, vector<1024x8xf32>
    %select_n3A_539 = arith.select %ge3A_521, %select_n3A_499, %select_n3A_538 : vector<1024x8xi1>, vector<1024x8xf32>
    %reduce_max3A_540 = arith.constant dense<0xFF800000> : vector<1024xf32>
    %reduce_max3A_541 = vector.multi_reduction <maximumf>, %select_n3A_513, %reduce_max3A_540 [1] : vector<1024x128xf32> to vector<1024xf32>
    %broadcast_in_dim3A_542 = vector.shape_cast %reduce_max3A_541 : vector<1024xf32> to vector<1024x1xf32>
    %eq3A_543 = vector.broadcast %broadcast_in_dim3A_542 : vector<1024x1xf32> to vector<1024x128xf32>
    %eq3A_544 = arith.cmpf oeq, %select_n3A_513, %eq3A_543 : vector<1024x128xf32>
    %jit3A_545 = arith.constant 3.000000e+38 : f32
    %broadcast_in_dim3A_546 = vector.broadcast %jit3A_545 : f32 to vector<1024x128xf32>
    %select_n3A_547 = arith.select %eq3A_544, %select_n3A_514, %broadcast_in_dim3A_546 : vector<1024x128xi1>, vector<1024x128xf32>
    %reduce_min3A_548 = arith.constant dense<0x7F800000> : vector<1024xf32>
    %reduce_min3A_549 = vector.multi_reduction <minimumf>, %select_n3A_547, %reduce_min3A_548 [1] : vector<1024x128xf32> to vector<1024xf32>
    %broadcast_in_dim3A_550 = vector.shape_cast %reduce_min3A_549 : vector<1024xf32> to vector<1024x1xf32>
    %eq3A_551 = vector.broadcast %broadcast_in_dim3A_550 : vector<1024x1xf32> to vector<1024x128xf32>
    %eq3A_552 = arith.cmpf oeq, %select_n3A_514, %eq3A_551 : vector<1024x128xf32>
    %select_n3A_553 = arith.select %eq3A_552, %select_n3A_515, %select_n3A_513 : vector<1024x128xi1>, vector<1024x128xf32>
    %select_n3A_554 = arith.select %eq3A_552, %select_n3A_516, %select_n3A_514 : vector<1024x128xi1>, vector<1024x128xf32>
    %select_n3A_555 = arith.select %eq3A_552, %select_n3A_519, %select_n3A_515 : vector<1024x128xi1>, vector<1024x128xf32>
    %select_n3A_556 = arith.select %eq3A_552, %select_n3A_337, %select_n3A_516 : vector<1024x128xi1>, vector<1024x128xf32>
    %ge3A_557 = vector.broadcast %broadcast_in_dim3A_542 : vector<1024x1xf32> to vector<1024x8xf32>
    %ge3A_558 = arith.cmpf oge, %select_n3A_537, %ge3A_557 : vector<1024x8xf32>
    %broadcast_in_dim3A_559 = arith.constant 0x7F800000 : f32
    %broadcast_in_dim3A_560 = vector.broadcast %broadcast_in_dim3A_559 : f32 to vector<1024x1xf32>
    %slice3A_561 = vector.extract_strided_slice %select_n3A_537 {offsets = [0, 0], sizes = [1024, 7], strides = [1, 1]} : vector<1024x8xf32> to vector<1024x7xf32>
    %concatenate3A_562 = tpu.concatenate %broadcast_in_dim3A_560, %slice3A_561 in 1 : vector<1024x1xf32>, vector<1024x7xf32> -> vector<1024x8xf32>
    %ge3A_563 = vector.broadcast %broadcast_in_dim3A_542 : vector<1024x1xf32> to vector<1024x8xf32>
    %ge3A_564 = arith.cmpf oge, %concatenate3A_562, %ge3A_563 : vector<1024x8xf32>
    %broadcast_in_dim3A_565 = arith.constant 0.000000e+00 : f32
    %broadcast_in_dim3A_566 = vector.broadcast %broadcast_in_dim3A_565 : f32 to vector<1024x1xf32>
    %slice3A_567 = vector.extract_strided_slice %select_n3A_539 {offsets = [0, 0], sizes = [1024, 7], strides = [1, 1]} : vector<1024x8xf32> to vector<1024x7xf32>
    %concatenate3A_568 = tpu.concatenate %broadcast_in_dim3A_566, %slice3A_567 in 1 : vector<1024x1xf32>, vector<1024x7xf32> -> vector<1024x8xf32>
    %broadcast_in_dim3A_569 = vector.shape_cast %broadcast_in_dim3A_542 : vector<1024x1xf32> to vector<1024x1xf32>
    %broadcast_in_dim3A_570 = vector.broadcast %broadcast_in_dim3A_569 : vector<1024x1xf32> to vector<1024x8xf32>
    %broadcast_in_dim3A_571 = vector.shape_cast %broadcast_in_dim3A_550 : vector<1024x1xf32> to vector<1024x1xf32>
    %broadcast_in_dim3A_572 = vector.broadcast %broadcast_in_dim3A_571 : vector<1024x1xf32> to vector<1024x8xf32>
    %select_n3A_573 = arith.select %ge3A_564, %broadcast_in_dim3A_570, %concatenate3A_562 : vector<1024x8xi1>, vector<1024x8xf32>
    %select_n3A_574 = arith.select %ge3A_558, %select_n3A_537, %select_n3A_573 : vector<1024x8xi1>, vector<1024x8xf32>
    %select_n3A_575 = arith.select %ge3A_564, %broadcast_in_dim3A_572, %concatenate3A_568 : vector<1024x8xi1>, vector<1024x8xf32>
    %select_n3A_576 = arith.select %ge3A_558, %select_n3A_539, %select_n3A_575 : vector<1024x8xi1>, vector<1024x8xf32>
    %reduce_max3A_577 = arith.constant dense<0xFF800000> : vector<1024xf32>
    %reduce_max3A_578 = vector.multi_reduction <maximumf>, %select_n3A_553, %reduce_max3A_577 [1] : vector<1024x128xf32> to vector<1024xf32>
    %broadcast_in_dim3A_579 = vector.shape_cast %reduce_max3A_578 : vector<1024xf32> to vector<1024x1xf32>
    %eq3A_580 = vector.broadcast %broadcast_in_dim3A_579 : vector<1024x1xf32> to vector<1024x128xf32>
    %eq3A_581 = arith.cmpf oeq, %select_n3A_553, %eq3A_580 : vector<1024x128xf32>
    %jit3A_582 = arith.constant 3.000000e+38 : f32
    %broadcast_in_dim3A_583 = vector.broadcast %jit3A_582 : f32 to vector<1024x128xf32>
    %select_n3A_584 = arith.select %eq3A_581, %select_n3A_554, %broadcast_in_dim3A_583 : vector<1024x128xi1>, vector<1024x128xf32>
    %reduce_min3A_585 = arith.constant dense<0x7F800000> : vector<1024xf32>
    %reduce_min3A_586 = vector.multi_reduction <minimumf>, %select_n3A_584, %reduce_min3A_585 [1] : vector<1024x128xf32> to vector<1024xf32>
    %broadcast_in_dim3A_587 = vector.shape_cast %reduce_min3A_586 : vector<1024xf32> to vector<1024x1xf32>
    %eq3A_588 = vector.broadcast %broadcast_in_dim3A_587 : vector<1024x1xf32> to vector<1024x128xf32>
    %eq3A_589 = arith.cmpf oeq, %select_n3A_554, %eq3A_588 : vector<1024x128xf32>
    %select_n3A_590 = arith.select %eq3A_589, %select_n3A_555, %select_n3A_553 : vector<1024x128xi1>, vector<1024x128xf32>
    %select_n3A_591 = arith.select %eq3A_589, %select_n3A_556, %select_n3A_554 : vector<1024x128xi1>, vector<1024x128xf32>
    %ge3A_592 = vector.broadcast %broadcast_in_dim3A_579 : vector<1024x1xf32> to vector<1024x8xf32>
    %ge3A_593 = arith.cmpf oge, %select_n3A_574, %ge3A_592 : vector<1024x8xf32>
    %broadcast_in_dim3A_594 = arith.constant 0x7F800000 : f32
    %broadcast_in_dim3A_595 = vector.broadcast %broadcast_in_dim3A_594 : f32 to vector<1024x1xf32>
    %slice3A_596 = vector.extract_strided_slice %select_n3A_574 {offsets = [0, 0], sizes = [1024, 7], strides = [1, 1]} : vector<1024x8xf32> to vector<1024x7xf32>
    %concatenate3A_597 = tpu.concatenate %broadcast_in_dim3A_595, %slice3A_596 in 1 : vector<1024x1xf32>, vector<1024x7xf32> -> vector<1024x8xf32>
    %ge3A_598 = vector.broadcast %broadcast_in_dim3A_579 : vector<1024x1xf32> to vector<1024x8xf32>
    %ge3A_599 = arith.cmpf oge, %concatenate3A_597, %ge3A_598 : vector<1024x8xf32>
    %broadcast_in_dim3A_600 = arith.constant 0.000000e+00 : f32
    %broadcast_in_dim3A_601 = vector.broadcast %broadcast_in_dim3A_600 : f32 to vector<1024x1xf32>
    %slice3A_602 = vector.extract_strided_slice %select_n3A_576 {offsets = [0, 0], sizes = [1024, 7], strides = [1, 1]} : vector<1024x8xf32> to vector<1024x7xf32>
    %concatenate3A_603 = tpu.concatenate %broadcast_in_dim3A_601, %slice3A_602 in 1 : vector<1024x1xf32>, vector<1024x7xf32> -> vector<1024x8xf32>
    %broadcast_in_dim3A_604 = vector.shape_cast %broadcast_in_dim3A_579 : vector<1024x1xf32> to vector<1024x1xf32>
    %broadcast_in_dim3A_605 = vector.broadcast %broadcast_in_dim3A_604 : vector<1024x1xf32> to vector<1024x8xf32>
    %broadcast_in_dim3A_606 = vector.shape_cast %broadcast_in_dim3A_587 : vector<1024x1xf32> to vector<1024x1xf32>
    %broadcast_in_dim3A_607 = vector.broadcast %broadcast_in_dim3A_606 : vector<1024x1xf32> to vector<1024x8xf32>
    %select_n3A_608 = arith.select %ge3A_599, %broadcast_in_dim3A_605, %concatenate3A_597 : vector<1024x8xi1>, vector<1024x8xf32>
    %select_n3A_609 = arith.select %ge3A_593, %select_n3A_574, %select_n3A_608 : vector<1024x8xi1>, vector<1024x8xf32>
    %select_n3A_610 = arith.select %ge3A_599, %broadcast_in_dim3A_607, %concatenate3A_603 : vector<1024x8xi1>, vector<1024x8xf32>
    %select_n3A_611 = arith.select %ge3A_593, %select_n3A_576, %select_n3A_610 : vector<1024x8xi1>, vector<1024x8xf32>
    %reduce_max3A_612 = arith.constant dense<0xFF800000> : vector<1024xf32>
    %reduce_max3A_613 = vector.multi_reduction <maximumf>, %select_n3A_590, %reduce_max3A_612 [1] : vector<1024x128xf32> to vector<1024xf32>
    %broadcast_in_dim3A_614 = vector.shape_cast %reduce_max3A_613 : vector<1024xf32> to vector<1024x1xf32>
    %eq3A_615 = vector.broadcast %broadcast_in_dim3A_614 : vector<1024x1xf32> to vector<1024x128xf32>
    %eq3A_616 = arith.cmpf oeq, %select_n3A_590, %eq3A_615 : vector<1024x128xf32>
    %jit3A_617 = arith.constant 3.000000e+38 : f32
    %broadcast_in_dim3A_618 = vector.broadcast %jit3A_617 : f32 to vector<1024x128xf32>
    %select_n3A_619 = arith.select %eq3A_616, %select_n3A_591, %broadcast_in_dim3A_618 : vector<1024x128xi1>, vector<1024x128xf32>
    %reduce_min3A_620 = arith.constant dense<0x7F800000> : vector<1024xf32>
    %reduce_min3A_621 = vector.multi_reduction <minimumf>, %select_n3A_619, %reduce_min3A_620 [1] : vector<1024x128xf32> to vector<1024xf32>
    %broadcast_in_dim3A_622 = vector.shape_cast %reduce_min3A_621 : vector<1024xf32> to vector<1024x1xf32>
    %ge3A_623 = vector.broadcast %broadcast_in_dim3A_614 : vector<1024x1xf32> to vector<1024x8xf32>
    %ge3A_624 = arith.cmpf oge, %select_n3A_609, %ge3A_623 : vector<1024x8xf32>
    %broadcast_in_dim3A_625 = arith.constant 0x7F800000 : f32
    %broadcast_in_dim3A_626 = vector.broadcast %broadcast_in_dim3A_625 : f32 to vector<1024x1xf32>
    %slice3A_627 = vector.extract_strided_slice %select_n3A_609 {offsets = [0, 0], sizes = [1024, 7], strides = [1, 1]} : vector<1024x8xf32> to vector<1024x7xf32>
    %concatenate3A_628 = tpu.concatenate %broadcast_in_dim3A_626, %slice3A_627 in 1 : vector<1024x1xf32>, vector<1024x7xf32> -> vector<1024x8xf32>
    %ge3A_629 = vector.broadcast %broadcast_in_dim3A_614 : vector<1024x1xf32> to vector<1024x8xf32>
    %ge3A_630 = arith.cmpf oge, %concatenate3A_628, %ge3A_629 : vector<1024x8xf32>
    %broadcast_in_dim3A_631 = arith.constant 0.000000e+00 : f32
    %broadcast_in_dim3A_632 = vector.broadcast %broadcast_in_dim3A_631 : f32 to vector<1024x1xf32>
    %slice3A_633 = vector.extract_strided_slice %select_n3A_611 {offsets = [0, 0], sizes = [1024, 7], strides = [1, 1]} : vector<1024x8xf32> to vector<1024x7xf32>
    %concatenate3A_634 = tpu.concatenate %broadcast_in_dim3A_632, %slice3A_633 in 1 : vector<1024x1xf32>, vector<1024x7xf32> -> vector<1024x8xf32>
    %broadcast_in_dim3A_635 = vector.shape_cast %broadcast_in_dim3A_614 : vector<1024x1xf32> to vector<1024x1xf32>
    %broadcast_in_dim3A_636 = vector.broadcast %broadcast_in_dim3A_635 : vector<1024x1xf32> to vector<1024x8xf32>
    %broadcast_in_dim3A_637 = vector.shape_cast %broadcast_in_dim3A_622 : vector<1024x1xf32> to vector<1024x1xf32>
    %broadcast_in_dim3A_638 = vector.broadcast %broadcast_in_dim3A_637 : vector<1024x1xf32> to vector<1024x8xf32>
    %select_n3A_639 = arith.select %ge3A_630, %broadcast_in_dim3A_636, %concatenate3A_628 : vector<1024x8xi1>, vector<1024x8xf32>
    %select_n3A_640 = arith.select %ge3A_624, %select_n3A_609, %select_n3A_639 : vector<1024x8xi1>, vector<1024x8xf32>
    %select_n3A_641 = arith.select %ge3A_630, %broadcast_in_dim3A_638, %concatenate3A_634 : vector<1024x8xi1>, vector<1024x8xf32>
    %select_n3A_642 = arith.select %ge3A_624, %select_n3A_611, %select_n3A_641 : vector<1024x8xi1>, vector<1024x8xf32>
    %swap3A = arith.constant 0 : index
    %swap3A_643 = arith.constant 0 : index
    %swap3A_644 = vector.load %arg3[%swap3A, %swap3A_643] : memref<1024x8xf32, #tpu.memory_space<vmem>>, vector<1024x8xf32>
    tpu.vector_store %arg3[%swap3A, %swap3A_643], %select_n3A_640 {strides = array<i32>} : memref<1024x8xf32, #tpu.memory_space<vmem>>, vector<1024x8xf32>,
    %swap3A_645 = arith.constant 0 : index
    %swap3A_646 = arith.constant 0 : index
    %swap3A_647 = vector.load %arg5[%swap3A_645, %swap3A_646] : memref<1024x8xf32, #tpu.memory_space<vmem>>, vector<1024x8xf32>
    tpu.vector_store %arg5[%swap3A_645, %swap3A_646], %select_n3A_642 {strides = array<i32>} : memref<1024x8xf32, #tpu.memory_space<vmem>>, vector<1024x8xf32>,
    %eq3A_648 = arith.constant 48 : i32
    %eq3A_649 = arith.cmpi eq, %arg0, %eq3A_648 : i32
    %convert_element_type3A_650 = arith.extui %eq3A_649 : i1 to i32
    %cond3A_651 = arith.constant 0 : i32
    %cond3A_652 = arith.cmpi ne, %convert_element_type3A_650, %cond3A_651 : i32
    scf.if %cond3A_652 {
      %get3A_653 = arith.constant 0 : index
      %get3A_654 = arith.constant 0 : index
      %get3A_655 = vector.load %arg5[%get3A_653, %get3A_654] : memref<1024x8xf32, #tpu.memory_space<vmem>>, vector<1024x8xf32>
      %convert_element_type3A_656 = arith.fptosi %get3A_655 : vector<1024x8xf32> to vector<1024x8xi32>
      %swap3A_657 = arith.constant 0 : index
      %swap3A_658 = arith.constant 0 : index
      %swap3A_659 = vector.load %arg4[%swap3A_657, %swap3A_658] : memref<1024x8xi32, #tpu.memory_space<vmem>>, vector<1024x8xi32>
      tpu.vector_store %arg4[%swap3A_657, %swap3A_658], %convert_element_type3A_656 {strides = array<i32>} : memref<1024x8xi32, #tpu.memory_space<vmem>>, vector<1024x8xi32>,
    } else {
    }
    return
  }
  func.func @transform_0(%arg0: i32) -> (i32, i32) {
    %c0_i32 = arith.constant 0 : i32
    %c0_i32_0 = arith.constant 0 : i32
    %c0_i32_1 = arith.constant 0 : i32
    return %c0_i32, %c0_i32_0 : i32, i32
  }
  func.func @transform_1(%arg0: i32) -> (i32, i32) {
    %c0_i32 = arith.constant 0 : i32
    %c0_i32_0 = arith.constant 0 : i32
    return %arg0, %c0_i32 : i32, i32
  }
  func.func @transform_2(%arg0: i32) -> (i32, i32) {
    %c0_i32 = arith.constant 0 : i32
    %c0_i32_0 = arith.constant 0 : i32
    %c0_i32_1 = arith.constant 0 : i32
    return %c0_i32, %c0_i32_0 : i32, i32
  }
  func.func @transform_3(%arg0: i32) -> (i32, i32) {
    %c0_i32 = arith.constant 0 : i32
    %c0_i32_0 = arith.constant 0 : i32
    %c0_i32_1 = arith.constant 0 : i32
    return %c0_i32, %c0_i32_0 : i32, i32
  }
}

</mosaic_0001>

<sc_bundles>
// kernel: kernel.4.cloned.1.call-start
scs
__scs_entry_jumppad:
0x0: {  	(pc) =	sbr.rel $0x88, $3  }
0x1: {  	(tag) =	ssettag $0x0;
	lr =	simm.s32 $0x1  }
0x2: {  	[smem:$0x3F9E] =	sst lr;
	_ =	strace $0xD0000000  }
0x3: {  	_ = 	snop  }
0x4: {  	_ = 	snop  }
0x5: {  	_ = 	snop  }
0x6: {  	_ = 	snop  }
0x7: {  	_ = 	snop  }
__scs_overlays_trampoline_lowered:
0x8: {  	[smem:$0x3FAD] =	sst s0  }
0x9: {  	[smem:$0x3FAE] =	sst s1  }
0xa: {  	[smem:$0x3FAF] =	sst s2  }
0xb: {  	[smem:$0x3FB0] =	sst s3  }
0xc: {  	[smem:$0x3FB1] =	sst s4  }
0xd: {  	[smem:$0x3FB2] =	sst s5  }
0xe: {  	[smem:$0x3FB3] =	sst s6  }
0xf: {  	[smem:$0x3FB4] =	sst s7  }
0x10: {  	[smem:$0x3FB5] =	sst s8  }
0x11: {  	[smem:$0x3FB6] =	sst s9;
	s0 =	simm.s32 @!p0 $0x0  }
0x12: {  	s1 =	sld [smem:$0x3F9C];
	s0 =	simm.s32 @p0 $0x1  }
0x13: {  	[smem:$0x3FB7] =	sst s0;
	s0 =	simm.s32 @!p1 $0x0  }
0x14: {  	s2 =	sld [smem:$0x3F9B];
	s0 =	simm.s32 @p1 $0x1  }
0x15: {  	[smem:$0x3FB8] =	sst s0;
	s0 =	simm.s32 @!p2 $0x0  }
0x16: {  	s3 =	sld [smem:$0x3FDB];
	s0 =	simm.s32 @p2 $0x1  }
0x17: {  	s4 =	simm.s32 $0x1BF5;
	[smem:$0x3FBA] =	sst s0  }
0x18: {  	s0 =	sld [smem:$0x3F9D];
	_ =	swait.ge [sflag:s4], $0x0  }
0x19: {  	s7 =	sld [smem:$0x3F9E]  }
0x1a: {  	s8 =	sadd.s32 $0xFFFFE003, lr  }
0x1b: {  	s9 =	sadd.s32 $0xFFFFFEF7, lr;
	s5 =	simm.s32 $0xFFFFFFFF;
	p2 =	slt.u32 s8, $0xFFFFF086  }
0x1c: {  	p1 =	slt.u32 s9, $0xF7A;
	s5 =	simm.s32 @!p2 $0x0  }
0x1d: {  	s5 =	simm.s32 @p1 $0x1;
	p0 =	seq.s32 s7, s2  }
0x1e: {  	s7 =	smul.u32 @!p0 $0xF7A, s2;
	p2 =	seq.s32 @!p0 s5, $0x0  }
0x1f: {  	s9 =	smul.u32 $0xF7A, s1;
	s8 =	simm.s32 @!p0 $0x1BF5;
	p2 =	por !p2, p0  }
0x20: {  	[sflag:s8] =	ssyncset.s32 @!p0 $0xFFFFF086;
	s6 =	sadd.s32 @!p0 s3, s7;
	s7 =	simm.s32 @!p0 $0x108  }
0x21: {  	s3 =	sadd.s32 s3, s9;
	s6 =	sadd.s32 @!p0 $0x88, s6;
	s7 =	simm.s32 @p2 $0x1082  }
0x22: {  	[simem:s7], [sflag:s8] =	dma.local @!p0 [hbm:s6], $0xF7A  }
0x23: {  	s9 =	sor.u32 $0xD0000000, s2;
	s6 =	simm.s32 $0x108;
	_ =	swait.ge @!p0 [sflag:s8], $0x0  }
0x24: {  	s3 =	sadd.s32 $0x88, s3;
	s6 =	simm.s32 @!p1 $0x1082;
	[sflag:s4] =	ssyncset.s32 $0xFFFFF086  }
0x25: {  	[simem:s6], [sflag:s4] =	dma.local [hbm:s3], $0xF7A  }
0x26: {  	[smem:$0x3F9E] =	sst s1;
	(tag) =	ssettag s2;
	_ =	strace s9  }
0x27: {  	s1 =	sld [smem:$0x3FAE]  }
0x28: {  	s2 =	sld [smem:$0x3FAF]  }
0x29: {  	s4 =	sld [smem:$0x3FB1]  }
0x2a: {  	p0 =	seq.s32 s5, $0x0;
	s5 =	sld [smem:$0x3FB2]  }
0x2b: {  	s6 =	sld [smem:$0x3FB3]  }
0x2c: {  	s7 =	sld [smem:$0x3FB4]  }
0x2d: {  	s3 =	simm.s32 $0x108;
	s8 =	sld [smem:$0x3FB5]  }
0x2e: {  	s3 =	simm.s32 @!p0 $0x1082;
	s9 =	sld [smem:$0x3FB6]  }
0x2f: {  	lr =	sadd.s32 s0, s3;
	s0 =	sld [smem:$0x3FAD]  }
0x30: {  	s3 =	sld [smem:$0x3FB0]  }
0x31: {  	[smem:$0x3FB9] =	sst s10  }
0x32: {  	s10 =	sld [smem:$0x3FB7];
	_ =	sdelay $0x3  }
0x33: {  	p0 =	seq.s32 s10, $0x1;
	s10 =	sld [smem:$0x3FB9];
	_ =	sdelay $0x3  }
0x34: {  	[smem:$0x3FB9] =	sst s10  }
0x35: {  	s10 =	sld [smem:$0x3FB8];
	_ =	sdelay $0x3  }
0x36: {  	p1 =	seq.s32 s10, $0x1;
	s10 =	sld [smem:$0x3FB9];
	_ =	sdelay $0x3  }
0x37: {  	[smem:$0x3FB9] =	sst s10  }
0x38: {  	s10 =	sld [smem:$0x3FBA]  }
0x39: {  	_ = 	snop;
	(pc) =	sbr.ind lr, $3  }
0x3a: {  	_ = 	snop  }
0x3b: {  	_ = 	snop  }
0x3c: {  	p2 =	seq.s32 s10, $0x1;
	s10 =	sld [smem:$0x3FB9]  }
0x3d: {  	_ =	shalt  }
0x3e: {  	_ =	shalt  }
0x3f: {  	_ =	shalt  }
0x40: {  	_ =	shalt  }
0x41: {  	_ =	shalt  }
0x42: {  	_ =	shalt  }
0x43: {  	_ =	shalt  }
0x44: {  	_ =	shalt  }
0x45: {  	_ =	shalt  }
0x46: {  	_ =	shalt  }
0x47: {  	_ =	shalt  }
0x48: {  	_ =	shalt  }
0x49: {  	_ =	shalt  }
0x4a: {  	_ =	shalt  }
0x4b: {  	_ =	shalt  }
0x4c: {  	_ =	shalt  }
0x4d: {  	_ =	shalt  }
0x4e: {  	_ =	shalt  }
0x4f: {  	_ =	shalt  }
0x50: {  	_ =	shalt  }
0x51: {  	_ =	shalt  }
0x52: {  	_ =	shalt  }
0x53: {  	_ =	shalt  }
0x54: {  	_ =	shalt  }
0x55: {  	_ =	shalt  }
0x56: {  	_ =	shalt  }
0x57: {  	_ =	shalt  }
0x58: {  	_ =	shalt  }
0x59: {  	_ =	shalt  }
0x5a: {  	_ =	shalt  }
0x5b: {  	_ =	shalt  }
0x5c: {  	_ =	shalt  }
0x5d: {  	_ =	shalt  }
0x5e: {  	_ =	shalt  }
0x5f: {  	_ =	shalt  }
0x60: {  	_ =	shalt  }
0x61: {  	_ =	shalt  }
0x62: {  	_ =	shalt  }
0x63: {  	_ =	shalt  }
0x64: {  	_ =	shalt  }
0x65: {  	_ =	shalt  }
0x66: {  	_ =	shalt  }
0x67: {  	_ =	shalt  }
0x68: {  	_ =	shalt  }
0x69: {  	_ =	shalt  }
0x6a: {  	_ =	shalt  }
0x6b: {  	_ =	shalt  }
0x6c: {  	_ =	shalt  }
0x6d: {  	_ =	shalt  }
0x6e: {  	_ =	shalt  }
0x6f: {  	_ =	shalt  }
0x70: {  	_ =	shalt  }
0x71: {  	_ =	shalt  }
0x72: {  	_ =	shalt  }
0x73: {  	_ =	shalt  }
0x74: {  	_ =	shalt  }
0x75: {  	_ =	shalt  }
0x76: {  	_ =	shalt  }
0x77: {  	_ =	shalt  }
0x78: {  	_ =	shalt  }
0x79: {  	_ =	shalt  }
0x7a: {  	_ =	shalt  }
0x7b: {  	_ =	shalt  }
0x7c: {  	_ =	shalt  }
0x7d: {  	_ =	shalt  }
0x7e: {  	_ =	shalt  }
0x7f: {  	_ =	shalt  }
0x80: {  	_ =	shalt  }
0x81: {  	_ =	shalt  }
0x82: {  	_ =	shalt  }
0x83: {  	_ =	shalt  }
0x84: {  	_ =	shalt  }
0x85: {  	_ =	shalt  }
0x86: {  	_ =	shalt  }
0x87: {  	_ =	shalt  }
.Lfunc_end0:
.L_simem_size_0:
called_computation_lowered:
.L_overlay_start_0:
0x88: {  	s2 =	sld [smem:$0x3FD9]  }
0x89: {  	s3 =	sld [smem:$0x3FFE];
	_ =	sdelay $0x1  }
0x8a: {  	s1 =	srdreg.scid  }
0x8b: {  	s0 =	sand.u32 $0x1, s1  }
0x8c: {  	s16 =	sshll.u32 s0, $0xA;
	s2 =	sadd.s32 s3, s2  }
0x8d: {  	s2 =	sadd.s32 s2, s16  }
0x8e: {  	[smem:$0x3FC5] =	sst s2  }
0x8f: {  	_ = 	snop  }
0x90: {  	(tm) =	ssettm $0x1  }
0x91: {  	s17 =	sld [smem:$0x3FFB];
	_ =	sdelay $0x3  }
0x92: {  	_ =	strace s17  }
0x93: {  	s2 =	sld [smem:$0x3FFC];
	_ =	sdelay $0x3  }
0x94: {  	_ =	strace s2  }
0x95: {  	s2 =	sld [smem:$0x3FFD];
	_ =	sdelay $0x3  }
0x96: {  	_ =	strace s2  }
0x97: {  	_ =	strace $0x8FFFFFFF  }
0x98: {  	s18 =	sld [smem:$0x3FDB];
	_ =	sdelay $0x1  }
0x99: {  	s19 =	simm.s32 $_scs_section_size  }
0x9a: {  	s4 =	simm.s32 $_size__tile_overlayer_lowered;
	s5 =	simm.s32 $_tile_overlayer_lowered  }
0x9b: {  	s22 =	simm.s32 $0x1BFF;
	s21 =	sshll.u32 s5, $0x1;
	s2 =	sadd.s32 s19, s18  }
0x9c: {  	s6 =	simm.s32 $0x0;
	s20 =	sshll.u32 s4, $0x1;
	s4 =	sadd.s32 s21, s2  }
0x9d: {  	[timem:s6], [sflag:s22] =	dma.local [hbm:s4], s20  }
0x9e: {  	_ =	swait.ge [sflag:s22], s20  }
0x9f: {  	s3 =	ssub.s32 $0x0, s20;
	[sflag:s22] =	ssyncset.done $0x0  }
0xa0: {  	[sflag:s22] =	ssyncadd.s32 s3;
	_ =	sdelay $0x1  }
0xa1: {  	s23 =	simm.s32 $0x1B8B  }
0xa2: {  	_ =	swait.ge [sflag:s23], $0x1  }
0xa3: {  	[sflag:s23] =	ssyncset.done $0x0  }
0xa4: {  	s25 =	simm.s32 $0x1B8E;
	s24 =	sld [smem:$0x3FFE];
	[sflag:s23] =	ssyncadd.s32 $0xFFFFFFFF  }
0xa5: {  	s26 =	simm.s32 $execute0_lowered;
	[smem:$0x3FD2] =	sst s25  }
0xa6: {  	s4 =	sshll.u32 s26, $0x1;
	_ =	strace $0x80000046;
	[dreg:$0x1] =	wrdreg $0xFFFFFFFF  }
0xa7: {  	s28 =	simm.s32 $_size_execute0_lowered;
	s2 =	sadd.s32 s2, s4;
	[dreg:$0x0] =	wrdreg $0x0  }
0xa8: {  	s4 =	sshll.u32 s28, $0x1;
	[dreg:$0x2] =	wrdreg s2  }
0xa9: {  	[dreg:$0x3] =	wrdreg s4  }
0xaa: {  	[dreg:$0x4] =	wrdreg $0xC0  }
0xab: {  	_ =	task [dreg:s6], $0x5FFFF  }
0xac: {  	[dreg:$0x1] =	wrdreg $0xFFFFFFFF  }
0xad: {  	[dreg:$0x0] =	wrdreg $0x60  }
0xae: {  	[dreg:$0x2] =	wrdreg s24  }
0xaf: {  	[dreg:$0x3] =	wrdreg $0x9  }
0xb0: {  	_ =	task.clear_ibuf [dreg:s6], $0x4FFFF;
	_ =	strace $0x90000046  }
0xb1: {  	s29 =	simm.s32 $0x9;
	_ =	strace $0x80000048  }
0xb2: {  	_ =	swait.ge [sflag:s29], $0x1  }
0xb3: {  	[sflag:s29] =	ssyncadd.s32 $0xFFFFFFFF  }
0xb4: {  	_ =	strace $0x90000048  }
0xb5: {  	_ =	sfence  }
0xb6: {  	s30 =	sld [smem:$0x0];
	_ =	sdelay $0x2  }
0xb7: {  	s31 =	sshll.u32 s1, $0xD;
	s1 =	sshrl.u32 s1, $0x2  }
0xb8: {  	s3 =	sand.u32 $0x4000, s31;
	s1 =	sadd.s32 s1, s30  }
0xb9: {  	s0 =	sor.u32 s3, s0;
	s1 =	sshll.u32 s1, $0x11  }
0xba: {  	s0 =	sor.u32 s1, s0  }
0xbb: {  	s0 =	sadd.s32 $0x8F2B, s0  }
0xbc: {  	[sflag:s0] =	ssyncadd.remote.s32 $0x1  }
0xbd: {  	_ =	sfence.sel $0xFFFF  }
0xbe: {  	[dreg:$0x0] =	wrdreg $0xFFFFFFFF;
	(pc) =	sbr.abs _section_cstart, $3  }
0xbf: {  	[dreg:$0x1] =	wrdreg $0xFFFFFFFF  }
0xc0: {  	_ =	task.clear_ibuf [dreg:s6], $0x2FFFF;
	_ =	strace $0x9FFFFFFF  }
0xc1: {  	(tm) =	ssettm $0x7FFFFFFF  }
tec
execute0_lowered:
.L_overlay_start_1:
0x0: {  	(tag) =	ssettag $0x1  }
0x1: {  	s0 =	rddreg [dreg:$0x0]  }
0x2: {  	s2 =	simm.s32 $0x0;
	s1 =	srdreg.scid;
	s9 =	stileid.u32  }
0x3: {  	s28 =	simm.s32 $0x6100;
	s29 =	simm.s32 $0x6900;
	s30 =	simm.s32 $0x7100  }
0x4: {  	s31 =	simm.s32 $0x7900;
	[smem:$0x7FF] =	sst s2;
	s1 =	sand.u32 $0x1, s1  }
0x5: {  	s3 =	sadd.s32 $0x4200, s0;
	s5 =	sshll.u32 s9, $0x8;
	s15 =	sadd.s32 $0x4300, s0  }
0x6: {  	s16 =	sadd.s32 $0x4400, s0;
	_ =	strace $0x80000047;
	[dreg:$0x2] =	wrdreg s3  }
0x7: {  	s17 =	sadd.s32 $0x4500, s0;
	s19 =	sadd.s32 $0x4600, s0;
	[dreg:$0x3] =	wrdreg s15  }
0x8: {  	s20 =	sadd.s32 $0x4700, s0;
	s21 =	sadd.s32 $0x4800, s0;
	[dreg:$0x4] =	wrdreg s16  }
0x9: {  	s23 =	sadd.s32 $0x4900, s0;
	s6 =	sadd.s32 $0x4C00, s0;
	[dreg:$0x5] =	wrdreg s17  }
0xa: {  	s7 =	sadd.s32 $0x4D00, s0;
	s8 =	sadd.s32 $0x4E00, s0;
	[dreg:$0x6] =	wrdreg s19  }
0xb: {  	s24 =	sshll.u32 s9, $0x11;
	s9 =	sadd.s32 $0x4F00, s0;
	[dreg:$0x7] =	wrdreg s20  }
0xc: {  	s10 =	sadd.s32 $0x5000, s0;
	s4 =	sshll.u32 s1, $0xC;
	[dreg:$0x8] =	wrdreg s21  }
0xd: {  	s18 =	sshll.u32 s1, $0x15;
	s1 =	ssub.s32 $0x2, s1;
	[dreg:$0x9] =	wrdreg s23  }
0xe: {  	s15 =	simm.s32 $0x100;
	s16 =	simm.s32 $0x900;
	s17 =	simm.s32 $0x1100  }
0xf: {  	s19 =	simm.s32 $0x2100;
	s20 =	simm.s32 $0x2900;
	s21 =	simm.s32 $0x3100  }
0x10: {  	s23 =	simm.s32 $0x4100;
	s14 =	sor.u32 s5, s4;
	s11 =	sadd.s32 s18, s0  }
0x11: {  	s22 =	sshrl.u32 s1, $0x1;
	s4 =	sadd.s32 $0x4A00, s0;
	s5 =	sadd.s32 $0x4B00, s0  }
0x12: {  	s18 =	simm.s32 $0x1900;
	s3 =	sshrl.u32 s14, $0x3;
	s1 =	ssub.s32 s1, s22  }
0x13: {  	s14 =	simm.s32 $0x1;
	s3 =	sadd.s32 s3, s0;
	s25 =	smax.u32 s1, $0x1  }
0x14: {  	s22 =	simm.s32 $0x3900;
	s3 =	sadd.s32 $0x30D8200, s3;
	[dreg:$0xb] =	wrdreg s25  }
0x15: {  	v0 =	vlaneseq.u32;
	s1 =	simm.s32 $0x0;
	[dreg:$0xa] =	wrdreg s3;
	s3 =	sadd.s32 s24, s11  }
0x16: {  	v1 =	vshrl.u32 v0, $0x3;
	s25 =	simm.s32 $0x5100;
	s11 =	sadd.s32 $0x5100, s0;
	s26 =	sadd.s32 $0x30D8600, s3  }
0x17: {  	vm0 =	vmmov $0xffff;
	v0 =	vand.u32 $0x7, v0;
	v1 =	vmul.u32 $0x8, v1;
	s24 =	simm.s32 $0x4900;
	[dreg:$0xc] =	wrdreg s26;
	s26 =	simm.s32 $0x5900  }
.LBB2_1:
0x18: {  	[dreg:$0xd] =	wrdreg s1  }
0x19: {  	s0 =	rddreg [dreg:$0xa]  }
0x1a: {  	[tilespmem:s2], [sflag:$0x1] =	stream.linear.gather [hbm4b:s0+s2], $0x100, $0x38;
	[tilespmem:$0x8100] =	vst v63  }
0x1b: {  	_ =	swait.ge [sflag:s14], $0x100  }
0x1c: {  	[sflag:s14] =	ssyncset.done $0x0  }
0x1d: {  	s3 =	simm.s32 $0x0;
	[sflag:s14] =	ssyncadd.s32 $0xFFFFFF00  }
0x1e: {  	v2 =	vld.msk [tilespmem:s3+$0x0], $0xff;
	_ =	sdelay $0x4  }
0x1f: {  	v3 =	vshll.u32 v2, $0x5  }
0x20: {  	v2 =	vand.u32 $0x7, v2;
	v3 =	vand.u32 $0xFFFFFF00, v3  }
0x21: {  	v2 =	vor.u32 v2, v3  }
0x22: {  	v2 =	vperm.xlane v2, v0;
	_ =	sdelay $0x1  }
0x23: {  	v2 =	vadd.s32 v1, v2;
	_ =	sdelay $0x3  }
0x24: {  	s12 =	rddreg [dreg:$0x2]  }
0x25: {  	[tilespmem:s15], [sflag:$0x1] =	stream.indirect_vreg.gather [hbm4b:s12+s2], $0x80, v2, vm0, $0xb8;
	[tilespmem:$0x8100] =	vst v63  }
0x26: {  	s3 =	rddreg [dreg:$0x3]  }
0x27: {  	[tilespmem:s16], [sflag:$0x1] =	stream.indirect_vreg.gather [hbm4b:s3+s2], $0x80, v2, vm0, $0xb8;
	[tilespmem:$0x8100] =	vst v63  }
0x28: {  	s13 =	rddreg [dreg:$0x4]  }
0x29: {  	[tilespmem:s17], [sflag:$0x1] =	stream.indirect_vreg.gather [hbm4b:s13+s2], $0x80, v2, vm0, $0xb8;
	[tilespmem:$0x8100] =	vst v63  }
0x2a: {  	s0 =	rddreg [dreg:$0x5]  }
0x2b: {  	[tilespmem:s18], [sflag:$0x1] =	stream.indirect_vreg.gather [hbm4b:s0+s2], $0x80, v2, vm0, $0xb8;
	[tilespmem:$0x8100] =	vst v63  }
0x2c: {  	s12 =	rddreg [dreg:$0x6]  }
0x2d: {  	[tilespmem:s19], [sflag:$0x1] =	stream.indirect_vreg.gather [hbm4b:s12+s2], $0x80, v2, vm0, $0xb8;
	[tilespmem:$0x8100] =	vst v63  }
0x2e: {  	s13 =	rddreg [dreg:$0x7]  }
0x2f: {  	[tilespmem:s20], [sflag:$0x1] =	stream.indirect_vreg.gather [hbm4b:s13+s2], $0x80, v2, vm0, $0xb8;
	[tilespmem:$0x8100] =	vst v63  }
0x30: {  	s0 =	rddreg [dreg:$0x8]  }
0x31: {  	[tilespmem:s21], [sflag:$0x1] =	stream.indirect_vreg.gather [hbm4b:s0+s2], $0x80, v2, vm0, $0xb8;
	[tilespmem:$0x8100] =	vst v63  }
0x32: {  	s12 =	rddreg [dreg:$0x9]  }
0x33: {  	[tilespmem:s22], [sflag:$0x1] =	stream.indirect_vreg.gather [hbm4b:s12+s2], $0x80, v2, vm0, $0xb8;
	[tilespmem:$0x8100] =	vst v63  }
0x34: {  	_ = 	snop  }
0x35: {  	[tilespmem:s23], [sflag:$0x1] =	stream.indirect_vreg.gather [hbm4b:s4+s2], $0x80, v2, vm0, $0xb8;
	[tilespmem:$0x8100] =	vst v63  }
0x36: {  	_ = 	snop  }
0x37: {  	[tilespmem:s24], [sflag:$0x1] =	stream.indirect_vreg.gather [hbm4b:s5+s2], $0x80, v2, vm0, $0xb8;
	[tilespmem:$0x8100] =	vst v63  }
0x38: {  	_ = 	snop  }
0x39: {  	[tilespmem:s25], [sflag:$0x1] =	stream.indirect_vreg.gather [hbm4b:s6+s2], $0x80, v2, vm0, $0xb8;
	[tilespmem:$0x8100] =	vst v63  }
0x3a: {  	_ = 	snop  }
0x3b: {  	[tilespmem:s26], [sflag:$0x1] =	stream.indirect_vreg.gather [hbm4b:s7+s2], $0x80, v2, vm0, $0xb8;
	[tilespmem:$0x8100] =	vst v63  }
0x3c: {  	_ = 	snop  }
0x3d: {  	[tilespmem:s28], [sflag:$0x1] =	stream.indirect_vreg.gather [hbm4b:s8+s2], $0x80, v2, vm0, $0xb8;
	[tilespmem:$0x8100] =	vst v63  }
0x3e: {  	_ = 	snop  }
0x3f: {  	[tilespmem:s29], [sflag:$0x1] =	stream.indirect_vreg.gather [hbm4b:s9+s2], $0x80, v2, vm0, $0xb8;
	[tilespmem:$0x8100] =	vst v63  }
0x40: {  	_ = 	snop  }
0x41: {  	[tilespmem:s30], [sflag:$0x1] =	stream.indirect_vreg.gather [hbm4b:s10+s2], $0x80, v2, vm0, $0xb8;
	[tilespmem:$0x8100] =	vst v63  }
0x42: {  	_ = 	snop  }
0x43: {  	[tilespmem:s31], [sflag:$0x1] =	stream.indirect_vreg.gather [hbm4b:s11+s2], $0x80, v2, vm0, $0xb8;
	[tilespmem:$0x8100] =	vst v63  }
0x44: {  	_ =	swait.ge [sflag:s14], $0x8000  }
0x45: {  	[sflag:s14] =	ssyncset.done $0x0  }
0x46: {  	s13 =	rddreg [dreg:$0xc];
	[sflag:s14] =	ssyncadd.s32 $0xFFFF8000  }
0x47: {  	[hbm4b:s13+s2] =	stream.linear.scatter [tilespmem:s15], [sflag:$0x1], $0x8000, $0x38;
	[tilespmem:$0x8100] =	vst v63  }
0x48: {  	s3 =	simm.s32 $0x20;
	_ =	swait.ge [sflag:s14], $0x8000  }
0x49: {  	s12 =	simm.s32 $0x40;
	s1 =	sadd.s32 $0x1000, s13;
	[sflag:s14] =	ssyncset.done $0x0  }
.LBB2_2:
0x4a: {  	s0 =	sshra.s32 s3, $0x2;
	[sflag:s14] =	ssyncadd.s32 $0xFFFF8000  }
0x4b: {  	v2 =	vld.msk [tilespmem:s0+$0x0], $0xff;
	_ =	sdelay $0x4  }
0x4c: {  	v3 =	vshll.u32 v2, $0x5  }
0x4d: {  	v2 =	vand.u32 $0x7, v2;
	v3 =	vand.u32 $0xFFFFFF00, v3  }
0x4e: {  	v2 =	vor.u32 v2, v3  }
0x4f: {  	v2 =	vperm.xlane v2, v0;
	_ =	sdelay $0x1  }
0x50: {  	v2 =	vadd.s32 v1, v2;
	_ =	sdelay $0x3  }
0x51: {  	s3 =	smov.u32 s12;
	s0 =	rddreg [dreg:$0x2]  }
0x52: {  	[tilespmem:s15], [sflag:$0x1] =	stream.indirect_vreg.gather [hbm4b:s0+s2], $0x80, v2, vm0, $0xb8;
	[tilespmem:$0x8100] =	vst v63  }
0x53: {  	s13 =	sadd.s32 $0x20, s12;
	p0 =	sne.s32 s12, $0x3E0;
	s12 =	rddreg [dreg:$0x3]  }
0x54: {  	[tilespmem:s16], [sflag:$0x1] =	stream.indirect_vreg.gather [hbm4b:s12+s2], $0x80, v2, vm0, $0xb8;
	[tilespmem:$0x8100] =	vst v63  }
0x55: {  	s0 =	rddreg [dreg:$0x4]  }
0x56: {  	[tilespmem:s17], [sflag:$0x1] =	stream.indirect_vreg.gather [hbm4b:s0+s2], $0x80, v2, vm0, $0xb8;
	[tilespmem:$0x8100] =	vst v63  }
0x57: {  	s12 =	rddreg [dreg:$0x5]  }
0x58: {  	[tilespmem:s18], [sflag:$0x1] =	stream.indirect_vreg.gather [hbm4b:s12+s2], $0x80, v2, vm0, $0xb8;
	[tilespmem:$0x8100] =	vst v63  }
0x59: {  	s0 =	rddreg [dreg:$0x6]  }
0x5a: {  	[tilespmem:s19], [sflag:$0x1] =	stream.indirect_vreg.gather [hbm4b:s0+s2], $0x80, v2, vm0, $0xb8;
	[tilespmem:$0x8100] =	vst v63  }
0x5b: {  	s12 =	rddreg [dreg:$0x7]  }
0x5c: {  	[tilespmem:s20], [sflag:$0x1] =	stream.indirect_vreg.gather [hbm4b:s12+s2], $0x80, v2, vm0, $0xb8;
	[tilespmem:$0x8100] =	vst v63  }
0x5d: {  	s0 =	rddreg [dreg:$0x8]  }
0x5e: {  	[tilespmem:s21], [sflag:$0x1] =	stream.indirect_vreg.gather [hbm4b:s0+s2], $0x80, v2, vm0, $0xb8;
	[tilespmem:$0x8100] =	vst v63  }
0x5f: {  	s12 =	rddreg [dreg:$0x9]  }
0x60: {  	[tilespmem:s22], [sflag:$0x1] =	stream.indirect_vreg.gather [hbm4b:s12+s2], $0x80, v2, vm0, $0xb8;
	[tilespmem:$0x8100] =	vst v63  }
0x61: {  	_ = 	snop  }
0x62: {  	[tilespmem:s23], [sflag:$0x1] =	stream.indirect_vreg.gather [hbm4b:s4+s2], $0x80, v2, vm0, $0xb8;
	[tilespmem:$0x8100] =	vst v63  }
0x63: {  	_ = 	snop  }
0x64: {  	[tilespmem:s24], [sflag:$0x1] =	stream.indirect_vreg.gather [hbm4b:s5+s2], $0x80, v2, vm0, $0xb8;
	[tilespmem:$0x8100] =	vst v63  }
0x65: {  	_ = 	snop  }
0x66: {  	[tilespmem:s25], [sflag:$0x1] =	stream.indirect_vreg.gather [hbm4b:s6+s2], $0x80, v2, vm0, $0xb8;
	[tilespmem:$0x8100] =	vst v63  }
0x67: {  	_ = 	snop  }
0x68: {  	[tilespmem:s26], [sflag:$0x1] =	stream.indirect_vreg.gather [hbm4b:s7+s2], $0x80, v2, vm0, $0xb8;
	[tilespmem:$0x8100] =	vst v63  }
0x69: {  	_ = 	snop  }
0x6a: {  	[tilespmem:s28], [sflag:$0x1] =	stream.indirect_vreg.gather [hbm4b:s8+s2], $0x80, v2, vm0, $0xb8;
	[tilespmem:$0x8100] =	vst v63  }
0x6b: {  	_ = 	snop  }
0x6c: {  	[tilespmem:s29], [sflag:$0x1] =	stream.indirect_vreg.gather [hbm4b:s9+s2], $0x80, v2, vm0, $0xb8;
	[tilespmem:$0x8100] =	vst v63  }
0x6d: {  	_ = 	snop  }
0x6e: {  	[tilespmem:s30], [sflag:$0x1] =	stream.indirect_vreg.gather [hbm4b:s10+s2], $0x80, v2, vm0, $0xb8;
	[tilespmem:$0x8100] =	vst v63  }
0x6f: {  	_ = 	snop  }
0x70: {  	[tilespmem:s31], [sflag:$0x1] =	stream.indirect_vreg.gather [hbm4b:s11+s2], $0x80, v2, vm0, $0xb8;
	[tilespmem:$0x8100] =	vst v63  }
0x71: {  	_ =	swait.ge [sflag:s14], $0x8000  }
.Ltmp0:
0x72: {  	[sflag:s14] =	ssyncset.done $0x0;
	(pc) =	sbr.rel @p0 .LBB2_2-.Ltmp0, $4  }
0x73: {  	[sflag:s14] =	ssyncadd.s32 $0xFFFF8000  }
0x74: {  	[hbm4b:s1+s2] =	stream.linear.scatter [tilespmem:s15], [sflag:$0x1], $0x8000, $0x38;
	[tilespmem:$0x8100] =	vst v63  }
0x75: {  	_ =	swait.ge [sflag:s14], $0x8000  }
0x76: {  	s12 =	smov.u32 s13;
	s1 =	sadd.s32 $0x1000, s1;
	[sflag:s14] =	ssyncset.done $0x0  }
0x77: {  	s0 =	sshra.s32 s3, $0x2;
	[sflag:s14] =	ssyncadd.s32 $0xFFFF8000  }
0x78: {  	v2 =	vld.msk [tilespmem:s0+$0x0], $0xff;
	_ =	sdelay $0x4  }
0x79: {  	v3 =	vshll.u32 v2, $0x5  }
0x7a: {  	v2 =	vand.u32 $0x7, v2;
	v3 =	vand.u32 $0xFFFFFF00, v3  }
0x7b: {  	v2 =	vor.u32 v2, v3  }
0x7c: {  	v2 =	vperm.xlane v2, v0;
	_ =	sdelay $0x1  }
0x7d: {  	v2 =	vadd.s32 v1, v2;
	_ =	sdelay $0x3  }
0x7e: {  	s12 =	rddreg [dreg:$0x2]  }
0x7f: {  	[tilespmem:s15], [sflag:$0x1] =	stream.indirect_vreg.gather [hbm4b:s12+s2], $0x80, v2, vm0, $0xb8;
	[tilespmem:$0x8100] =	vst v63  }
0x80: {  	s13 =	rddreg [dreg:$0x3]  }
0x81: {  	[tilespmem:s16], [sflag:$0x1] =	stream.indirect_vreg.gather [hbm4b:s13+s2], $0x80, v2, vm0, $0xb8;
	[tilespmem:$0x8100] =	vst v63  }
0x82: {  	s12 =	rddreg [dreg:$0x4]  }
0x83: {  	[tilespmem:s17], [sflag:$0x1] =	stream.indirect_vreg.gather [hbm4b:s12+s2], $0x80, v2, vm0, $0xb8;
	[tilespmem:$0x8100] =	vst v63  }
0x84: {  	s13 =	rddreg [dreg:$0x5]  }
0x85: {  	[tilespmem:s18], [sflag:$0x1] =	stream.indirect_vreg.gather [hbm4b:s13+s2], $0x80, v2, vm0, $0xb8;
	[tilespmem:$0x8100] =	vst v63  }
0x86: {  	s12 =	rddreg [dreg:$0x6]  }
0x87: {  	[tilespmem:s19], [sflag:$0x1] =	stream.indirect_vreg.gather [hbm4b:s12+s2], $0x80, v2, vm0, $0xb8;
	[tilespmem:$0x8100] =	vst v63  }
0x88: {  	s13 =	rddreg [dreg:$0x7]  }
0x89: {  	[tilespmem:s20], [sflag:$0x1] =	stream.indirect_vreg.gather [hbm4b:s13+s2], $0x80, v2, vm0, $0xb8;
	[tilespmem:$0x8100] =	vst v63  }
0x8a: {  	s12 =	rddreg [dreg:$0x8]  }
0x8b: {  	[tilespmem:s21], [sflag:$0x1] =	stream.indirect_vreg.gather [hbm4b:s12+s2], $0x80, v2, vm0, $0xb8;
	[tilespmem:$0x8100] =	vst v63  }
0x8c: {  	s13 =	rddreg [dreg:$0x9]  }
0x8d: {  	[tilespmem:s22], [sflag:$0x1] =	stream.indirect_vreg.gather [hbm4b:s13+s2], $0x80, v2, vm0, $0xb8;
	[tilespmem:$0x8100] =	vst v63  }
0x8e: {  	_ = 	snop  }
0x8f: {  	[tilespmem:s23], [sflag:$0x1] =	stream.indirect_vreg.gather [hbm4b:s4+s2], $0x80, v2, vm0, $0xb8;
	[tilespmem:$0x8100] =	vst v63  }
0x90: {  	_ = 	snop  }
0x91: {  	[tilespmem:s24], [sflag:$0x1] =	stream.indirect_vreg.gather [hbm4b:s5+s2], $0x80, v2, vm0, $0xb8;
	[tilespmem:$0x8100] =	vst v63  }
0x92: {  	_ = 	snop  }
0x93: {  	[tilespmem:s25], [sflag:$0x1] =	stream.indirect_vreg.gather [hbm4b:s6+s2], $0x80, v2, vm0, $0xb8;
	[tilespmem:$0x8100] =	vst v63  }
0x94: {  	_ = 	snop  }
0x95: {  	[tilespmem:s26], [sflag:$0x1] =	stream.indirect_vreg.gather [hbm4b:s7+s2], $0x80, v2, vm0, $0xb8;
	[tilespmem:$0x8100] =	vst v63  }
0x96: {  	_ = 	snop  }
0x97: {  	[tilespmem:s28], [sflag:$0x1] =	stream.indirect_vreg.gather [hbm4b:s8+s2], $0x80, v2, vm0, $0xb8;
	[tilespmem:$0x8100] =	vst v63  }
0x98: {  	_ = 	snop  }
0x99: {  	[tilespmem:s29], [sflag:$0x1] =	stream.indirect_vreg.gather [hbm4b:s9+s2], $0x80, v2, vm0, $0xb8;
	[tilespmem:$0x8100] =	vst v63  }
0x9a: {  	_ = 	snop  }
0x9b: {  	[tilespmem:s30], [sflag:$0x1] =	stream.indirect_vreg.gather [hbm4b:s10+s2], $0x80, v2, vm0, $0xb8;
	[tilespmem:$0x8100] =	vst v63  }
0x9c: {  	_ = 	snop  }
0x9d: {  	[tilespmem:s31], [sflag:$0x1] =	stream.indirect_vreg.gather [hbm4b:s11+s2], $0x80, v2, vm0, $0xb8;
	[tilespmem:$0x8100] =	vst v63  }
0x9e: {  	_ =	swait.ge [sflag:s14], $0x8000  }
0x9f: {  	[sflag:s14] =	ssyncset.done $0x0  }
0xa0: {  	[sflag:s14] =	ssyncadd.s32 $0xFFFF8000  }
0xa1: {  	[hbm4b:s1+s2] =	stream.linear.scatter [tilespmem:s15], [sflag:$0x1], $0x8000, $0x38;
	[tilespmem:$0x8100] =	vst v63  }
0xa2: {  	_ =	swait.ge [sflag:s14], $0x8000  }
0xa3: {  	s12 =	rddreg [dreg:$0xd]  }
0xa4: {  	s13 =	rddreg [dreg:$0xb];
	s1 =	sadd.s32 $0x1, s12  }
0xa5: {  	p0 =	sne.s32 s1, s13  }
.Ltmp1:
0xa6: {  	_ = 	snop;
	(pc) =	sbr.rel @p0 .LBB2_1-.Ltmp1, $3  }
0xa7: {  	_ =	sdelay $0x1  }
0xa8: {  	[sflag:s14] =	ssyncset.done $0x0  }
0xa9: {  	[sflag:s14] =	ssyncadd.s32 $0xFFFF8000  }
0xaa: {  	_ =	sfence.sel $0x180000  }
0xab: {  	[bflag:$0x0] =	sbarrier.arrive $0xFFFF  }
0xac: {  	_ =	strace $0x90000047  }
0xad: {  	s0 =	stileid.u32;
	[bflag:$0x2] =	sbarrier.arrive $0xFFFF  }
0xae: {  	p0 =	sne.s32 s0, $0x0;
	s0 =	rddreg [dreg:$0x1]  }
0xaf: {  	s0 =	sadd.s32 @!p0 $0x100000, s0  }
0xb0: {  	[sflag:s0] =	ssyncadd.tile.s32 @!p0 $0x1;
	_ =	shalt  }
.Lfunc_end2:
_tile_overlayer_lowered:
.L_overlay_start_2:
0xb1: {  	(tag) =	ssettag $0x2  }
0xb2: {  	s0 =	rddreg [dreg:$0x0];
	s2 =	stileid.u32  }
0xb3: {  	s1 =	rddreg [dreg:$0x1];
	p0 =	sne.s32 s2, $0x0  }
0xb4: {  	s3 =	rddreg [dreg:$0x2];
	[bflag:$0x3] =	sbarrier.arrive $0xFFFF;
	s2 =	simm.s32 @!p0 $0x1C01  }
0xb5: {  	[timem:s3], [sflag:s2] =	dma.local @!p0 [hbm:s0], s1  }
0xb6: {  	s0 =	simm.s32 @!p0 $0x1  }
0xb7: {  	_ =	swait.ge @!p0 [sflag:s0], s1  }
0xb8: {  	s1 =	ssub.s32 @!p0 $0x0, s1;
	[sflag:s0] =	ssyncset.done @!p0 $0x0  }
0xb9: {  	[sflag:s0] =	ssyncadd.s32 @!p0 s1  }
0xba: {  	[bflag:$0x3] =	sbarrier.arrive $0xFFFF  }
0xbb: {  	_ =	shalt  }

</sc_bundles>
